<compile_context>
chip_gen: v7x
topology: tpu7x:2x2x1
jax: 0.10.2.dev20260603
libtpu: 0.0.44.dev20260713+nightly
codegen_flags: <defaults>
</compile_context>

<pallas_src>
import jax
import jax.numpy as jnp
from jax import lax
from jax.experimental import pallas as pl
from jax.experimental.pallas import tpu as pltpu
from jax.experimental.pallas import tpu_sc as plsc

_N = 10000
_NP = 10240
_E = 320000
_D = 128
_SLOPE = 0.2

_NT = 16
_EPT = _E // _NT
_WIN = 80
_NWIN = _EPT // _WIN
_NZ = _NP
_ZSL = _NZ // _NT
_LANES = 16

def _st_body(x_ref, w_ref, a_ref, st_ref):
    av = a_ref[...].reshape(2, _D)
    ut = lax.dot_general(
        av, w_ref[...], (((1,), (1,)), ((), ())),
        preferred_element_type=jnp.float32, precision=lax.Precision.HIGHEST)
    st = lax.dot_general(
        ut, x_ref[...], (((1,), (1,)), ((), ())),
        preferred_element_type=jnp.float32, precision=lax.Precision.HIGHEST)
    st_ref[pl.ds(0, _N)] = lax.squeeze(st[0:1, :], (0,))
    st_ref[pl.ds(_NP, _N)] = lax.squeeze(st[1:2, :], (0,))


_st_call = pl.pallas_call(
    _st_body, out_shape=jax.ShapeDtypeStruct((2 * _NP,), jnp.float32))


def _edge_body(stf_hbm, edge_hbm, out_hbm,
               st_v, src_v, dst_v, p_v, z_v, zero_v, z_sh, st_sh, sem):
    tid = lax.axis_index("s")
    ebase = tid * _EPT

    with jax.named_scope("ph0_zero_stage"):
        c2 = pltpu.async_copy(edge_hbm.at[0, pl.ds(ebase, _EPT)], src_v, sem)
        c3 = pltpu.async_copy(edge_hbm.at[1, pl.ds(ebase, _EPT)], dst_v, sem)
        stsl = pl.ds(tid * (2 * _NP // _NT), 2 * _NP // _NT)
        c1 = pltpu.async_copy(stf_hbm.at[stsl], st_sh.at[stsl], sem)

        def zbody(j, c):
            zero_v[pl.ds(j * _LANES, _LANES)] = jnp.zeros((_LANES,), jnp.float32)
            return c
        lax.fori_loop(0, _ZSL // _LANES, zbody, 0)
        pltpu.sync_copy(zero_v, z_sh.at[pl.ds(tid * _ZSL, _ZSL)])
        c1.wait()
        plsc.subcore_barrier()
        pltpu.sync_copy(st_sh, st_v)
        c2.wait(); c3.wait()

    with jax.named_scope("ph1_gather_exp_scatter"):
        @plsc.parallel_loop(0, _NWIN, unroll=4)
        def wbody(w):
            for j in range(_WIN // _LANES):
                sl = pl.ds(w * _WIN + j * _LANES, _LANES)
                e = (plsc.load_gather(st_v, [src_v[sl]])
                     + plsc.load_gather(st_v, [dst_v[sl] + _NP]))
                e = jnp.maximum(e, e * _SLOPE)
                p_v[sl] = jnp.exp(e)
            pltpu.async_copy(p_v.at[pl.ds(w * _WIN, _WIN)],
                             z_sh.at[src_v.at[pl.ds(w * _WIN, _WIN)]],
                             sem, add=True)

    with jax.named_scope("ph2_drain_barrier"):
        def dbody(w, c):
            pltpu.make_async_copy(p_v.at[pl.ds(0, _WIN)],
                                  z_sh.at[src_v.at[pl.ds(0, _WIN)]],
                                  sem).wait()
            return c
        lax.fori_loop(0, _NWIN, dbody, 0)
        plsc.subcore_barrier()

    with jax.named_scope("ph3_zdist_recip"):
        pltpu.sync_copy(z_sh, z_v)

        @plsc.parallel_loop(0, _NZ // _LANES, unroll=2)
        def rbody(i):
            sl = pl.ds(i * _LANES, _LANES)
            z_v[sl] = 1.0 / (z_v[sl] + 1e-16)

    with jax.named_scope("ph4_normalize_out"):
        @plsc.parallel_loop(0, _NWIN, unroll=4)
        def obody(w):
            for j in range(_WIN // _LANES):
                sl = pl.ds(w * _WIN + j * _LANES, _LANES)
                p_v[sl] = p_v[sl] * plsc.load_gather(z_v, [src_v[sl]])

        pltpu.sync_copy(p_v, out_hbm.at[pl.ds(ebase, _EPT)])


_edge_call = pl.kernel(
    _edge_body,
    out_type=jax.ShapeDtypeStruct((_E,), jnp.float32),
    mesh=plsc.VectorSubcoreMesh(core_axis_name="c", subcore_axis_name="s"),
    compiler_params=pltpu.CompilerParams(
        needs_layout_passes=False, use_tc_tiling_on_sc=False),
    scratch_types=[
        pltpu.VMEM((2 * _NP,), jnp.float32),
        pltpu.VMEM((_EPT,), jnp.int32),
        pltpu.VMEM((_EPT,), jnp.int32),
        pltpu.VMEM((_EPT,), jnp.float32),
        pltpu.VMEM((_NZ,), jnp.float32),
        pltpu.VMEM((_ZSL,), jnp.float32),
        pltpu.VMEM_SHARED((_NZ,), jnp.float32),
        pltpu.VMEM_SHARED((2 * _NP,), jnp.float32),
        pltpu.SemaphoreType.DMA,
    ],
)


def kernel(x, edge, W, a):
    st = _st_call(x, W, a)
    return _edge_call(st, edge.astype(jnp.int32)).reshape(_E, 1)

# --- scband reference (transcript-rebuilt; emitter-appended) ---
"""Pipeline reference for scband-sp-graph-attention-layer-11330123727204 (READ-ONLY COPY).

The authoritative reference and input builder live on the scoring server;
editing this copy changes nothing except your own understanding.
"""

import jax, jax.numpy as jnp
import numpy as np

N_NODES = 10000
N_EDGES = 320000
D_IN = 128
ATT_DIM = 128  # heads=1 -> d_k = 128
SLOPE = 0.2
ATT_NORM_IDX = 0


def setup_inputs(seed: int = 0) -> dict:
    key = jax.random.key(seed)
    k_x, k_e, k_W, k_a = jax.random.split(key, 4)
    x = jax.random.normal(k_x, (N_NODES, D_IN), dtype=jnp.float32)
    edge = jax.random.randint(k_e, (2, N_EDGES), 0, N_NODES, dtype=jnp.int64)
    # xavier_normal_ with gain=1.414
    gain = 1.414
    std_W = gain * np.sqrt(2.0 / (D_IN + ATT_DIM))
    W = jax.random.normal(k_W, (D_IN, ATT_DIM), dtype=jnp.float32) * std_W
    std_a = gain * np.sqrt(2.0 / (2 * ATT_DIM + 1))
    a = jax.random.normal(k_a, (2 * ATT_DIM, 1, 1), dtype=jnp.float32) * std_a
    return {"x": x, "edge": edge, "W": W, "a": a}


def _segment_softmax(src, index, num_segments):
    # src: [E, 1], index: [E]
    seg_max = jax.ops.segment_max(src, index, num_segments=num_segments)
    seg_max = jnp.where(jnp.isfinite(seg_max), seg_max, 0.0)
    out = jnp.exp(src - seg_max[index])
    seg_sum = jax.ops.segment_sum(out, index, num_segments=num_segments)
    return out / (seg_sum[index] + 1e-16)


def reference(x, edge, W, a):
    d_k = ATT_DIM  # heads == 1
    wx = x @ W                              # [N, att_dim]
    h = wx.reshape(-1, 1, d_k)              # [N, 1, d_k] (h=1 head factor)
    h = jnp.transpose(h, (0, 2, 1))         # [N, d_k, 1]
    src_h = h[edge[0, :]]                   # [E, d_k, 1]
    dst_h = h[edge[1, :]]                   # [E, d_k, 1]
    edge_h = jnp.concatenate([src_h, dst_h], axis=1)  # [E, 2*d_k, 1]
    edge_h = jnp.transpose(edge_h, (1, 0, 2))          # [2*d_k, E, 1]
    edge_e = jax.nn.leaky_relu(jnp.sum(a * edge_h, axis=0), negative_slope=SLOPE)  # [E, 1]
    attention = _segment_softmax(edge_e, edge[ATT_NORM_IDX], N_NODES)
    return attention

if __name__ == "__main__":
    import jax
    _d = setup_inputs()
    print(jax.jit(kernel)(*tuple(_d.values())))

</pallas_src>

<mosaic_0001>
#map = affine_map<(d0, d1) -> (0)>
#map1 = affine_map<(d0, d1) -> (0, 0)>
module attributes {stable_mosaic.version = 14 : i64} {
  func.func @_edge_body(%arg0: i32, %arg1: i32, %arg2: memref<20480xf32, #tpu.memory_space<hbm>>, %arg3: memref<2x320000xi32, #tpu.memory_space<hbm>>, %arg4: memref<320000xf32, #tpu.memory_space<hbm>>, %arg5: memref<20480xf32, #tpu.memory_space<vmem>>, %arg6: memref<20000xi32, #tpu.memory_space<vmem>>, %arg7: memref<20000xi32, #tpu.memory_space<vmem>>, %arg8: memref<20000xf32, #tpu.memory_space<vmem>>, %arg9: memref<10240xf32, #tpu.memory_space<vmem>>, %arg10: memref<640xf32, #tpu.memory_space<vmem>>, %arg11: memref<10240xf32, #tpu.memory_space<vmem_shared>>, %arg12: memref<20480xf32, #tpu.memory_space<vmem_shared>>, %arg13: memref<!tpu.dma_semaphore, #tpu.memory_space<semaphore_mem>>) attributes {dimension_semantics = [#tpu.dimension_semantics<core_parallel>, #tpu.dimension_semantics<subcore_parallel>], iteration_bounds = array<i64: 2, 16>, scalar_prefetch = 0 : i64, scratch_operands = 9 : i64, tpu.core_type = #tpu.core_type<sc_vector_subcore>, window_params = [{transform_indices = #map}, {transform_indices = #map1}, {transform_indices = #map}]} {
    %mul3A = arith.constant 20000 : i32
    %mul3A_0 = arith.muli %arg1, %mul3A : i32
    %dma_start3A = arith.constant 0 : i32
    "tpu.trace_start"() <{level = 10 : i32, message = "ph0_zero_stage"}> : () -> ()
    %dma_start3A_1 = tpu.memref_slice %arg3[%dma_start3A, %mul3A_0] : memref<2x320000xi32, #tpu.memory_space<hbm>> -> memref<1x20000xi32, #tpu.memory_space<hbm>>
    %dma_start3A_2 = tpu.memref_squeeze %dma_start3A_1 : memref<1x20000xi32, #tpu.memory_space<hbm>> -> memref<20000xi32, #tpu.memory_space<hbm>>
    %dma_start3A_3 = tpu.memref_slice %arg3[%dma_start3A, %mul3A_0] : memref<2x320000xi32, #tpu.memory_space<hbm>> -> memref<1x20000xi32, #tpu.memory_space<hbm>>
    %dma_start3A_4 = tpu.memref_squeeze %dma_start3A_3 : memref<1x20000xi32, #tpu.memory_space<hbm>> -> memref<20000xi32, #tpu.memory_space<hbm>>
    tpu.enqueue_dma source(%dma_start3A_4 : memref<20000xi32, #tpu.memory_space<hbm>>) target(%arg6 : memref<20000xi32, #tpu.memory_space<vmem>>) target_semaphore(%arg13 : memref<!tpu.dma_semaphore, #tpu.memory_space<semaphore_mem>>)
    %dma_start3A_5 = arith.constant 1 : i32
    %dma_start3A_6 = tpu.memref_slice %arg3[%dma_start3A_5, %mul3A_0] : memref<2x320000xi32, #tpu.memory_space<hbm>> -> memref<1x20000xi32, #tpu.memory_space<hbm>>
    %dma_start3A_7 = tpu.memref_squeeze %dma_start3A_6 : memref<1x20000xi32, #tpu.memory_space<hbm>> -> memref<20000xi32, #tpu.memory_space<hbm>>
    %dma_start3A_8 = tpu.memref_slice %arg3[%dma_start3A_5, %mul3A_0] : memref<2x320000xi32, #tpu.memory_space<hbm>> -> memref<1x20000xi32, #tpu.memory_space<hbm>>
    %dma_start3A_9 = tpu.memref_squeeze %dma_start3A_8 : memref<1x20000xi32, #tpu.memory_space<hbm>> -> memref<20000xi32, #tpu.memory_space<hbm>>
    tpu.enqueue_dma source(%dma_start3A_9 : memref<20000xi32, #tpu.memory_space<hbm>>) target(%arg7 : memref<20000xi32, #tpu.memory_space<vmem>>) target_semaphore(%arg13 : memref<!tpu.dma_semaphore, #tpu.memory_space<semaphore_mem>>)
    %mul3A_10 = arith.constant 1280 : i32
    %mul3A_11 = arith.muli %arg1, %mul3A_10 : i32
    %dma_start3A_12 = tpu.memref_slice %arg12[%mul3A_11] : memref<20480xf32, #tpu.memory_space<vmem_shared>> -> memref<1280xf32, #tpu.memory_space<vmem_shared>>
    %dma_start3A_13 = tpu.memref_slice %arg2[%mul3A_11] : memref<20480xf32, #tpu.memory_space<hbm>> -> memref<1280xf32, #tpu.memory_space<hbm>>
    tpu.enqueue_dma source(%dma_start3A_13 : memref<1280xf32, #tpu.memory_space<hbm>>) target(%dma_start3A_12 : memref<1280xf32, #tpu.memory_space<vmem_shared>>) target_semaphore(%arg13 : memref<!tpu.dma_semaphore, #tpu.memory_space<semaphore_mem>>)
    %scan3A = arith.constant 0 : i32
    %scan3A_14 = arith.constant 0 : i32
    %scan3A_15 = arith.constant 40 : i32
    %scan3A_16 = arith.addi %scan3A_14, %scan3A_15 : i32
    %scan3A_17 = arith.constant 1 : i32
    scf.for %scan3A_47 = %scan3A_14 to %scan3A_16 step %scan3A_17  : i32 {
      %broadcast_in_dim3A = arith.constant 0.000000e+00 : f32
      %broadcast_in_dim3A_48 = vector.broadcast %broadcast_in_dim3A : f32 to vector<16xf32>
      %mul3A_49 = arith.constant 16 : i32
      %mul3A_50 = arith.muli %scan3A_47, %mul3A_49 : i32
      %swap3A = arith.index_cast %mul3A_50 : i32 to index
      %swap3A_51 = tpu.vector_load %arg10[%swap3A] {strides = array<i32>} : memref<640xf32, #tpu.memory_space<vmem>>, vector<16xf32>,
      tpu.vector_store %arg10[%swap3A], %broadcast_in_dim3A_48 {strides = array<i32>} : memref<640xf32, #tpu.memory_space<vmem>>, vector<16xf32>,
    }
    %scan3A_18 = arith.constant 40 : i32
    %mul3A_19 = arith.constant 640 : i32
    %mul3A_20 = arith.muli %arg1, %mul3A_19 : i32
    "tpu.region"() ({
      %run_scoped3A = tpu.sem_alloc : memref<!tpu.dma_semaphore, #tpu.memory_space<semaphore_mem>>
      %dma_start3A_47 = tpu.memref_slice %arg11[%mul3A_20] : memref<10240xf32, #tpu.memory_space<vmem_shared>> -> memref<640xf32, #tpu.memory_space<vmem_shared>>
      %dma_start3A_48 = tpu.memref_slice %arg11[%mul3A_20] : memref<10240xf32, #tpu.memory_space<vmem_shared>> -> memref<640xf32, #tpu.memory_space<vmem_shared>>
      tpu.enqueue_dma source(%arg10 : memref<640xf32, #tpu.memory_space<vmem>>) target(%dma_start3A_48 : memref<640xf32, #tpu.memory_space<vmem_shared>>) target_semaphore(%run_scoped3A : memref<!tpu.dma_semaphore, #tpu.memory_space<semaphore_mem>>)
      %dma_wait3A_49 = tpu.memref_slice %arg11[%mul3A_20] : memref<10240xf32, #tpu.memory_space<vmem_shared>> -> memref<640xf32, #tpu.memory_space<vmem_shared>>
      %dma_wait3A_50 = tpu.memref_slice %arg11[%mul3A_20] : memref<10240xf32, #tpu.memory_space<vmem_shared>> -> memref<640xf32, #tpu.memory_space<vmem_shared>>
      tpu.wait_dma2 semaphore(%run_scoped3A : memref<!tpu.dma_semaphore, #tpu.memory_space<semaphore_mem>>) src(%arg10 : memref<640xf32, #tpu.memory_space<vmem>>) dst(%dma_wait3A_50 : memref<640xf32, #tpu.memory_space<vmem_shared>>)
      tpu.yield
    }) : () -> ()
    %dma_wait3A = tpu.memref_slice %arg12[%mul3A_11] : memref<20480xf32, #tpu.memory_space<vmem_shared>> -> memref<1280xf32, #tpu.memory_space<vmem_shared>>
    %dma_wait3A_21 = tpu.memref_slice %arg2[%mul3A_11] : memref<20480xf32, #tpu.memory_space<hbm>> -> memref<1280xf32, #tpu.memory_space<hbm>>
    tpu.wait_dma2 semaphore(%arg13 : memref<!tpu.dma_semaphore, #tpu.memory_space<semaphore_mem>>) src(%dma_wait3A_21 : memref<1280xf32, #tpu.memory_space<hbm>>) dst(%dma_wait3A : memref<1280xf32, #tpu.memory_space<vmem_shared>>)
    %barrier3A = arith.constant 0 : index
    tpu.barrier barrier_id(%barrier3A)
    "tpu.region"() ({
      %run_scoped3A = tpu.sem_alloc : memref<!tpu.dma_semaphore, #tpu.memory_space<semaphore_mem>>
      tpu.enqueue_dma source(%arg12 : memref<20480xf32, #tpu.memory_space<vmem_shared>>) target(%arg5 : memref<20480xf32, #tpu.memory_space<vmem>>) target_semaphore(%run_scoped3A : memref<!tpu.dma_semaphore, #tpu.memory_space<semaphore_mem>>)
      tpu.wait_dma2 semaphore(%run_scoped3A : memref<!tpu.dma_semaphore, #tpu.memory_space<semaphore_mem>>) src(%arg12 : memref<20480xf32, #tpu.memory_space<vmem_shared>>) dst(%arg5 : memref<20480xf32, #tpu.memory_space<vmem>>)
      tpu.yield
    }) : () -> ()
    %dma_wait3A_22 = arith.constant 0 : i32
    %dma_wait3A_23 = tpu.memref_slice %arg3[%dma_wait3A_22, %mul3A_0] : memref<2x320000xi32, #tpu.memory_space<hbm>> -> memref<1x20000xi32, #tpu.memory_space<hbm>>
    %dma_wait3A_24 = tpu.memref_squeeze %dma_wait3A_23 : memref<1x20000xi32, #tpu.memory_space<hbm>> -> memref<20000xi32, #tpu.memory_space<hbm>>
    %dma_wait3A_25 = tpu.memref_slice %arg3[%dma_wait3A_22, %mul3A_0] : memref<2x320000xi32, #tpu.memory_space<hbm>> -> memref<1x20000xi32, #tpu.memory_space<hbm>>
    %dma_wait3A_26 = tpu.memref_squeeze %dma_wait3A_25 : memref<1x20000xi32, #tpu.memory_space<hbm>> -> memref<20000xi32, #tpu.memory_space<hbm>>
    tpu.wait_dma2 semaphore(%arg13 : memref<!tpu.dma_semaphore, #tpu.memory_space<semaphore_mem>>) src(%dma_wait3A_26 : memref<20000xi32, #tpu.memory_space<hbm>>) dst(%arg6 : memref<20000xi32, #tpu.memory_space<vmem>>)
    %dma_wait3A_27 = arith.constant 1 : i32
    %dma_wait3A_28 = tpu.memref_slice %arg3[%dma_wait3A_27, %mul3A_0] : memref<2x320000xi32, #tpu.memory_space<hbm>> -> memref<1x20000xi32, #tpu.memory_space<hbm>>
    %dma_wait3A_29 = tpu.memref_squeeze %dma_wait3A_28 : memref<1x20000xi32, #tpu.memory_space<hbm>> -> memref<20000xi32, #tpu.memory_space<hbm>>
    %dma_wait3A_30 = tpu.memref_slice %arg3[%dma_wait3A_27, %mul3A_0] : memref<2x320000xi32, #tpu.memory_space<hbm>> -> memref<1x20000xi32, #tpu.memory_space<hbm>>
    %dma_wait3A_31 = tpu.memref_squeeze %dma_wait3A_30 : memref<1x20000xi32, #tpu.memory_space<hbm>> -> memref<20000xi32, #tpu.memory_space<hbm>>
    tpu.wait_dma2 semaphore(%arg13 : memref<!tpu.dma_semaphore, #tpu.memory_space<semaphore_mem>>) src(%dma_wait3A_31 : memref<20000xi32, #tpu.memory_space<hbm>>) dst(%arg7 : memref<20000xi32, #tpu.memory_space<vmem>>)
    %parallel_loop3A = arith.constant 0 : i32
    %parallel_loop3A_32 = arith.constant 250 : i32
    %parallel_loop3A_33 = arith.constant 1 : i32
    "tpu.trace_stop"() : () -> ()
    "tpu.trace_start"() <{level = 10 : i32, message = "ph1_gather_exp_scatter"}> : () -> ()
    scf.for %parallel_loop3A_47 = %parallel_loop3A to %parallel_loop3A_32 step %parallel_loop3A_33  : i32 {
      %parallel_loop3A_48 = arith.constant 80 : i32
      %parallel_loop3A_49 = arith.muli %parallel_loop3A_47, %parallel_loop3A_48 : i32
      %parallel_loop3A_50 = arith.constant 0 : i32
      %parallel_loop3A_51 = arith.addi %parallel_loop3A_49, %parallel_loop3A_50 : i32
      %parallel_loop3A_52 = arith.index_cast %parallel_loop3A_51 : i32 to index
      %parallel_loop3A_53 = tpu.vector_load %arg6[%parallel_loop3A_52] {strides = array<i32>} : memref<20000xi32, #tpu.memory_space<vmem>>, vector<16xi32>,
      %parallel_loop3A_54 = tpu.vector_load_idx %arg5[%parallel_loop3A_53] : memref<20480xf32, #tpu.memory_space<vmem>>[vector<16xi32>], vector<16xf32>,
      %parallel_loop3A_55 = arith.index_cast %parallel_loop3A_51 : i32 to index
      %parallel_loop3A_56 = tpu.vector_load %arg7[%parallel_loop3A_55] {strides = array<i32>} : memref<20000xi32, #tpu.memory_space<vmem>>, vector<16xi32>,
      %parallel_loop3A_57 = arith.constant 10240 : i32
      %parallel_loop3A_58 = vector.broadcast %parallel_loop3A_57 : i32 to vector<16xi32>
      %parallel_loop3A_59 = arith.addi %parallel_loop3A_56, %parallel_loop3A_58 : vector<16xi32>
      %parallel_loop3A_60 = tpu.vector_load_idx %arg5[%parallel_loop3A_59] : memref<20480xf32, #tpu.memory_space<vmem>>[vector<16xi32>], vector<16xf32>,
      %parallel_loop3A_61 = arith.addf %parallel_loop3A_54, %parallel_loop3A_60 : vector<16xf32>
      %parallel_loop3A_62 = arith.constant 2.000000e-01 : f32
      %parallel_loop3A_63 = vector.broadcast %parallel_loop3A_62 : f32 to vector<16xf32>
      %parallel_loop3A_64 = arith.mulf %parallel_loop3A_61, %parallel_loop3A_63 : vector<16xf32>
      %parallel_loop3A_65 = arith.maximumf %parallel_loop3A_61, %parallel_loop3A_64 : vector<16xf32>
      %parallel_loop3A_66 = math.exp %parallel_loop3A_65 : vector<16xf32>
      %parallel_loop3A_67 = arith.index_cast %parallel_loop3A_51 : i32 to index
      %parallel_loop3A_68 = tpu.vector_load %arg8[%parallel_loop3A_67] {strides = array<i32>} : memref<20000xf32, #tpu.memory_space<vmem>>, vector<16xf32>,
      tpu.vector_store %arg8[%parallel_loop3A_67], %parallel_loop3A_66 {strides = array<i32>} : memref<20000xf32, #tpu.memory_space<vmem>>, vector<16xf32>,
      %parallel_loop3A_69 = arith.constant 80 : i32
      %parallel_loop3A_70 = arith.muli %parallel_loop3A_47, %parallel_loop3A_69 : i32
      %parallel_loop3A_71 = arith.constant 16 : i32
      %parallel_loop3A_72 = arith.addi %parallel_loop3A_70, %parallel_loop3A_71 : i32
      %parallel_loop3A_73 = arith.index_cast %parallel_loop3A_72 : i32 to index
      %parallel_loop3A_74 = tpu.vector_load %arg6[%parallel_loop3A_73] {strides = array<i32>} : memref<20000xi32, #tpu.memory_space<vmem>>, vector<16xi32>,
      %parallel_loop3A_75 = tpu.vector_load_idx %arg5[%parallel_loop3A_74] : memref<20480xf32, #tpu.memory_space<vmem>>[vector<16xi32>], vector<16xf32>,
      %parallel_loop3A_76 = arith.index_cast %parallel_loop3A_72 : i32 to index
      %parallel_loop3A_77 = tpu.vector_load %arg7[%parallel_loop3A_76] {strides = array<i32>} : memref<20000xi32, #tpu.memory_space<vmem>>, vector<16xi32>,
      %parallel_loop3A_78 = arith.constant 10240 : i32
      %parallel_loop3A_79 = vector.broadcast %parallel_loop3A_78 : i32 to vector<16xi32>
      %parallel_loop3A_80 = arith.addi %parallel_loop3A_77, %parallel_loop3A_79 : vector<16xi32>
      %parallel_loop3A_81 = tpu.vector_load_idx %arg5[%parallel_loop3A_80] : memref<20480xf32, #tpu.memory_space<vmem>>[vector<16xi32>], vector<16xf32>,
      %parallel_loop3A_82 = arith.addf %parallel_loop3A_75, %parallel_loop3A_81 : vector<16xf32>
      %parallel_loop3A_83 = arith.constant 2.000000e-01 : f32
      %parallel_loop3A_84 = vector.broadcast %parallel_loop3A_83 : f32 to vector<16xf32>
      %parallel_loop3A_85 = arith.mulf %parallel_loop3A_82, %parallel_loop3A_84 : vector<16xf32>
      %parallel_loop3A_86 = arith.maximumf %parallel_loop3A_82, %parallel_loop3A_85 : vector<16xf32>
      %parallel_loop3A_87 = math.exp %parallel_loop3A_86 : vector<16xf32>
      %parallel_loop3A_88 = arith.index_cast %parallel_loop3A_72 : i32 to index
      %parallel_loop3A_89 = tpu.vector_load %arg8[%parallel_loop3A_88] {strides = array<i32>} : memref<20000xf32, #tpu.memory_space<vmem>>, vector<16xf32>,
      tpu.vector_store %arg8[%parallel_loop3A_88], %parallel_loop3A_87 {strides = array<i32>} : memref<20000xf32, #tpu.memory_space<vmem>>, vector<16xf32>,
      %parallel_loop3A_90 = arith.constant 80 : i32
      %parallel_loop3A_91 = arith.muli %parallel_loop3A_47, %parallel_loop3A_90 : i32
      %parallel_loop3A_92 = arith.constant 32 : i32
      %parallel_loop3A_93 = arith.addi %parallel_loop3A_91, %parallel_loop3A_92 : i32
      %parallel_loop3A_94 = arith.index_cast %parallel_loop3A_93 : i32 to index
      %parallel_loop3A_95 = tpu.vector_load %arg6[%parallel_loop3A_94] {strides = array<i32>} : memref<20000xi32, #tpu.memory_space<vmem>>, vector<16xi32>,
      %parallel_loop3A_96 = tpu.vector_load_idx %arg5[%parallel_loop3A_95] : memref<20480xf32, #tpu.memory_space<vmem>>[vector<16xi32>], vector<16xf32>,
      %parallel_loop3A_97 = arith.index_cast %parallel_loop3A_93 : i32 to index
      %parallel_loop3A_98 = tpu.vector_load %arg7[%parallel_loop3A_97] {strides = array<i32>} : memref<20000xi32, #tpu.memory_space<vmem>>, vector<16xi32>,
      %parallel_loop3A_99 = arith.constant 10240 : i32
      %parallel_loop3A_100 = vector.broadcast %parallel_loop3A_99 : i32 to vector<16xi32>
      %parallel_loop3A_101 = arith.addi %parallel_loop3A_98, %parallel_loop3A_100 : vector<16xi32>
      %parallel_loop3A_102 = tpu.vector_load_idx %arg5[%parallel_loop3A_101] : memref<20480xf32, #tpu.memory_space<vmem>>[vector<16xi32>], vector<16xf32>,
      %parallel_loop3A_103 = arith.addf %parallel_loop3A_96, %parallel_loop3A_102 : vector<16xf32>
      %parallel_loop3A_104 = arith.constant 2.000000e-01 : f32
      %parallel_loop3A_105 = vector.broadcast %parallel_loop3A_104 : f32 to vector<16xf32>
      %parallel_loop3A_106 = arith.mulf %parallel_loop3A_103, %parallel_loop3A_105 : vector<16xf32>
      %parallel_loop3A_107 = arith.maximumf %parallel_loop3A_103, %parallel_loop3A_106 : vector<16xf32>
      %parallel_loop3A_108 = math.exp %parallel_loop3A_107 : vector<16xf32>
      %parallel_loop3A_109 = arith.index_cast %parallel_loop3A_93 : i32 to index
      %parallel_loop3A_110 = tpu.vector_load %arg8[%parallel_loop3A_109] {strides = array<i32>} : memref<20000xf32, #tpu.memory_space<vmem>>, vector<16xf32>,
      tpu.vector_store %arg8[%parallel_loop3A_109], %parallel_loop3A_108 {strides = array<i32>} : memref<20000xf32, #tpu.memory_space<vmem>>, vector<16xf32>,
      %parallel_loop3A_111 = arith.constant 80 : i32
      %parallel_loop3A_112 = arith.muli %parallel_loop3A_47, %parallel_loop3A_111 : i32
      %parallel_loop3A_113 = arith.constant 48 : i32
      %parallel_loop3A_114 = arith.addi %parallel_loop3A_112, %parallel_loop3A_113 : i32
      %parallel_loop3A_115 = arith.index_cast %parallel_loop3A_114 : i32 to index
      %parallel_loop3A_116 = tpu.vector_load %arg6[%parallel_loop3A_115] {strides = array<i32>} : memref<20000xi32, #tpu.memory_space<vmem>>, vector<16xi32>,
      %parallel_loop3A_117 = tpu.vector_load_idx %arg5[%parallel_loop3A_116] : memref<20480xf32, #tpu.memory_space<vmem>>[vector<16xi32>], vector<16xf32>,
      %parallel_loop3A_118 = arith.index_cast %parallel_loop3A_114 : i32 to index
      %parallel_loop3A_119 = tpu.vector_load %arg7[%parallel_loop3A_118] {strides = array<i32>} : memref<20000xi32, #tpu.memory_space<vmem>>, vector<16xi32>,
      %parallel_loop3A_120 = arith.constant 10240 : i32
      %parallel_loop3A_121 = vector.broadcast %parallel_loop3A_120 : i32 to vector<16xi32>
      %parallel_loop3A_122 = arith.addi %parallel_loop3A_119, %parallel_loop3A_121 : vector<16xi32>
      %parallel_loop3A_123 = tpu.vector_load_idx %arg5[%parallel_loop3A_122] : memref<20480xf32, #tpu.memory_space<vmem>>[vector<16xi32>], vector<16xf32>,
      %parallel_loop3A_124 = arith.addf %parallel_loop3A_117, %parallel_loop3A_123 : vector<16xf32>
      %parallel_loop3A_125 = arith.constant 2.000000e-01 : f32
      %parallel_loop3A_126 = vector.broadcast %parallel_loop3A_125 : f32 to vector<16xf32>
      %parallel_loop3A_127 = arith.mulf %parallel_loop3A_124, %parallel_loop3A_126 : vector<16xf32>
      %parallel_loop3A_128 = arith.maximumf %parallel_loop3A_124, %parallel_loop3A_127 : vector<16xf32>
      %parallel_loop3A_129 = math.exp %parallel_loop3A_128 : vector<16xf32>
      %parallel_loop3A_130 = arith.index_cast %parallel_loop3A_114 : i32 to index
      %parallel_loop3A_131 = tpu.vector_load %arg8[%parallel_loop3A_130] {strides = array<i32>} : memref<20000xf32, #tpu.memory_space<vmem>>, vector<16xf32>,
      tpu.vector_store %arg8[%parallel_loop3A_130], %parallel_loop3A_129 {strides = array<i32>} : memref<20000xf32, #tpu.memory_space<vmem>>, vector<16xf32>,
      %parallel_loop3A_132 = arith.constant 80 : i32
      %parallel_loop3A_133 = arith.muli %parallel_loop3A_47, %parallel_loop3A_132 : i32
      %parallel_loop3A_134 = arith.constant 64 : i32
      %parallel_loop3A_135 = arith.addi %parallel_loop3A_133, %parallel_loop3A_134 : i32
      %parallel_loop3A_136 = arith.index_cast %parallel_loop3A_135 : i32 to index
      %parallel_loop3A_137 = tpu.vector_load %arg6[%parallel_loop3A_136] {strides = array<i32>} : memref<20000xi32, #tpu.memory_space<vmem>>, vector<16xi32>,
      %parallel_loop3A_138 = tpu.vector_load_idx %arg5[%parallel_loop3A_137] : memref<20480xf32, #tpu.memory_space<vmem>>[vector<16xi32>], vector<16xf32>,
      %parallel_loop3A_139 = arith.index_cast %parallel_loop3A_135 : i32 to index
      %parallel_loop3A_140 = tpu.vector_load %arg7[%parallel_loop3A_139] {strides = array<i32>} : memref<20000xi32, #tpu.memory_space<vmem>>, vector<16xi32>,
      %parallel_loop3A_141 = arith.constant 10240 : i32
      %parallel_loop3A_142 = vector.broadcast %parallel_loop3A_141 : i32 to vector<16xi32>
      %parallel_loop3A_143 = arith.addi %parallel_loop3A_140, %parallel_loop3A_142 : vector<16xi32>
      %parallel_loop3A_144 = tpu.vector_load_idx %arg5[%parallel_loop3A_143] : memref<20480xf32, #tpu.memory_space<vmem>>[vector<16xi32>], vector<16xf32>,
      %parallel_loop3A_145 = arith.addf %parallel_loop3A_138, %parallel_loop3A_144 : vector<16xf32>
      %parallel_loop3A_146 = arith.constant 2.000000e-01 : f32
      %parallel_loop3A_147 = vector.broadcast %parallel_loop3A_146 : f32 to vector<16xf32>
      %parallel_loop3A_148 = arith.mulf %parallel_loop3A_145, %parallel_loop3A_147 : vector<16xf32>
      %parallel_loop3A_149 = arith.maximumf %parallel_loop3A_145, %parallel_loop3A_148 : vector<16xf32>
      %parallel_loop3A_150 = math.exp %parallel_loop3A_149 : vector<16xf32>
      %parallel_loop3A_151 = arith.index_cast %parallel_loop3A_135 : i32 to index
      %parallel_loop3A_152 = tpu.vector_load %arg8[%parallel_loop3A_151] {strides = array<i32>} : memref<20000xf32, #tpu.memory_space<vmem>>, vector<16xf32>,
      tpu.vector_store %arg8[%parallel_loop3A_151], %parallel_loop3A_150 {strides = array<i32>} : memref<20000xf32, #tpu.memory_space<vmem>>, vector<16xf32>,
      %parallel_loop3A_153 = arith.constant 80 : i32
      %parallel_loop3A_154 = arith.muli %parallel_loop3A_47, %parallel_loop3A_153 : i32
      %parallel_loop3A_155 = arith.constant 80 : i32
      %parallel_loop3A_156 = arith.muli %parallel_loop3A_47, %parallel_loop3A_155 : i32
      %parallel_loop3A_157 = tpu.memref_slice %arg8[%parallel_loop3A_154] : memref<20000xf32, #tpu.memory_space<vmem>> -> memref<80xf32, #tpu.memory_space<vmem>>
      %parallel_loop3A_158 = tpu.memref_slice %arg6[%parallel_loop3A_156] : memref<20000xi32, #tpu.memory_space<vmem>> -> memref<80xi32, #tpu.memory_space<vmem>>
      %parallel_loop3A_159 = arith.constant 0 : i32
      %parallel_loop3A_160 = tpu.memref_slice %arg11[%parallel_loop3A_159] : memref<10240xf32, #tpu.memory_space<vmem_shared>> -> memref<10240xf32, #tpu.memory_space<vmem_shared>>
      tpu.enqueue_indirect_dma source(%parallel_loop3A_157 : memref<80xf32, #tpu.memory_space<vmem>>) target(%parallel_loop3A_160 : memref<10240xf32, #tpu.memory_space<vmem_shared>>) offsets(%parallel_loop3A_158 : memref<80xi32, #tpu.memory_space<vmem>>) semaphore(%arg13 : memref<!tpu.dma_semaphore, #tpu.memory_space<semaphore_mem>>) {add = true}
    } {sc.loop_unroll_factor = 4 : i64, sc.parallel_access}
    "tpu.trace_stop"() : () -> ()
    "tpu.trace_start"() <{level = 10 : i32, message = "ph2_drain_barrier"}> : () -> ()
    %scan3A_34 = arith.constant 0 : i32
    %scan3A_35 = arith.constant 0 : i32
    %scan3A_36 = arith.constant 250 : i32
    %scan3A_37 = arith.addi %scan3A_35, %scan3A_36 : i32
    %scan3A_38 = arith.constant 1 : i32
    scf.for %scan3A_47 = %scan3A_35 to %scan3A_37 step %scan3A_38  : i32 {
      %dma_wait3A_48 = arith.constant 0 : i32
      %dma_wait3A_49 = tpu.memref_slice %arg8[%dma_wait3A_48] : memref<20000xf32, #tpu.memory_space<vmem>> -> memref<80xf32, #tpu.memory_space<vmem>>
      %dma_wait3A_50 = arith.constant 0 : i32
      %dma_wait3A_51 = tpu.memref_slice %arg6[%dma_wait3A_50] : memref<20000xi32, #tpu.memory_space<vmem>> -> memref<80xi32, #tpu.memory_space<vmem>>
      %dma_wait3A_52 = arith.constant 0 : i32
      %dma_wait3A_53 = tpu.memref_slice %arg11[%dma_wait3A_52] : memref<10240xf32, #tpu.memory_space<vmem_shared>> -> memref<10240xf32, #tpu.memory_space<vmem_shared>>
      tpu.wait_indirect_dma semaphore(%arg13 : memref<!tpu.dma_semaphore, #tpu.memory_space<semaphore_mem>>) src(%dma_wait3A_49 : memref<80xf32, #tpu.memory_space<vmem>>) dst(%dma_wait3A_53 : memref<10240xf32, #tpu.memory_space<vmem_shared>>)
    }
    %scan3A_39 = arith.constant 250 : i32
    %barrier3A_40 = arith.constant 0 : index
    tpu.barrier barrier_id(%barrier3A_40)
    "tpu.trace_stop"() : () -> ()
    "tpu.trace_start"() <{level = 10 : i32, message = "ph3_zdist_recip"}> : () -> ()
    "tpu.region"() ({
      %run_scoped3A = tpu.sem_alloc : memref<!tpu.dma_semaphore, #tpu.memory_space<semaphore_mem>>
      tpu.enqueue_dma source(%arg11 : memref<10240xf32, #tpu.memory_space<vmem_shared>>) target(%arg9 : memref<10240xf32, #tpu.memory_space<vmem>>) target_semaphore(%run_scoped3A : memref<!tpu.dma_semaphore, #tpu.memory_space<semaphore_mem>>)
      tpu.wait_dma2 semaphore(%run_scoped3A : memref<!tpu.dma_semaphore, #tpu.memory_space<semaphore_mem>>) src(%arg11 : memref<10240xf32, #tpu.memory_space<vmem_shared>>) dst(%arg9 : memref<10240xf32, #tpu.memory_space<vmem>>)
      tpu.yield
    }) : () -> ()
    %parallel_loop3A_41 = arith.constant 0 : i32
    %parallel_loop3A_42 = arith.constant 640 : i32
    %parallel_loop3A_43 = arith.constant 1 : i32
    scf.for %parallel_loop3A_47 = %parallel_loop3A_41 to %parallel_loop3A_42 step %parallel_loop3A_43  : i32 {
      %parallel_loop3A_48 = arith.constant 16 : i32
      %parallel_loop3A_49 = arith.muli %parallel_loop3A_47, %parallel_loop3A_48 : i32
      %parallel_loop3A_50 = arith.index_cast %parallel_loop3A_49 : i32 to index
      %parallel_loop3A_51 = tpu.vector_load %arg9[%parallel_loop3A_50] {strides = array<i32>} : memref<10240xf32, #tpu.memory_space<vmem>>, vector<16xf32>,
      %parallel_loop3A_52 = arith.constant 1.000000e-16 : f32
      %parallel_loop3A_53 = vector.broadcast %parallel_loop3A_52 : f32 to vector<16xf32>
      %parallel_loop3A_54 = arith.addf %parallel_loop3A_51, %parallel_loop3A_53 : vector<16xf32>
      %parallel_loop3A_55 = arith.constant 1.000000e+00 : f32
      %parallel_loop3A_56 = vector.broadcast %parallel_loop3A_55 : f32 to vector<16xf32>
      %parallel_loop3A_57 = arith.divf %parallel_loop3A_56, %parallel_loop3A_54 : vector<16xf32>
      %parallel_loop3A_58 = arith.index_cast %parallel_loop3A_49 : i32 to index
      %parallel_loop3A_59 = tpu.vector_load %arg9[%parallel_loop3A_58] {strides = array<i32>} : memref<10240xf32, #tpu.memory_space<vmem>>, vector<16xf32>,
      tpu.vector_store %arg9[%parallel_loop3A_58], %parallel_loop3A_57 {strides = array<i32>} : memref<10240xf32, #tpu.memory_space<vmem>>, vector<16xf32>,
    } {sc.loop_unroll_factor = 2 : i64, sc.parallel_access}
    %parallel_loop3A_44 = arith.constant 0 : i32
    %parallel_loop3A_45 = arith.constant 250 : i32
    %parallel_loop3A_46 = arith.constant 1 : i32
    "tpu.trace_stop"() : () -> ()
    "tpu.trace_start"() <{level = 10 : i32, message = "ph4_normalize_out"}> : () -> ()
    scf.for %parallel_loop3A_47 = %parallel_loop3A_44 to %parallel_loop3A_45 step %parallel_loop3A_46  : i32 {
      %parallel_loop3A_48 = arith.constant 80 : i32
      %parallel_loop3A_49 = arith.muli %parallel_loop3A_47, %parallel_loop3A_48 : i32
      %parallel_loop3A_50 = arith.constant 0 : i32
      %parallel_loop3A_51 = arith.addi %parallel_loop3A_49, %parallel_loop3A_50 : i32
      %parallel_loop3A_52 = arith.index_cast %parallel_loop3A_51 : i32 to index
      %parallel_loop3A_53 = tpu.vector_load %arg8[%parallel_loop3A_52] {strides = array<i32>} : memref<20000xf32, #tpu.memory_space<vmem>>, vector<16xf32>,
      %parallel_loop3A_54 = arith.index_cast %parallel_loop3A_51 : i32 to index
      %parallel_loop3A_55 = tpu.vector_load %arg6[%parallel_loop3A_54] {strides = array<i32>} : memref<20000xi32, #tpu.memory_space<vmem>>, vector<16xi32>,
      %parallel_loop3A_56 = tpu.vector_load_idx %arg9[%parallel_loop3A_55] : memref<10240xf32, #tpu.memory_space<vmem>>[vector<16xi32>], vector<16xf32>,
      %parallel_loop3A_57 = arith.mulf %parallel_loop3A_53, %parallel_loop3A_56 : vector<16xf32>
      %parallel_loop3A_58 = arith.index_cast %parallel_loop3A_51 : i32 to index
      %parallel_loop3A_59 = tpu.vector_load %arg8[%parallel_loop3A_58] {strides = array<i32>} : memref<20000xf32, #tpu.memory_space<vmem>>, vector<16xf32>,
      tpu.vector_store %arg8[%parallel_loop3A_58], %parallel_loop3A_57 {strides = array<i32>} : memref<20000xf32, #tpu.memory_space<vmem>>, vector<16xf32>,
      %parallel_loop3A_60 = arith.constant 80 : i32
      %parallel_loop3A_61 = arith.muli %parallel_loop3A_47, %parallel_loop3A_60 : i32
      %parallel_loop3A_62 = arith.constant 16 : i32
      %parallel_loop3A_63 = arith.addi %parallel_loop3A_61, %parallel_loop3A_62 : i32
      %parallel_loop3A_64 = arith.index_cast %parallel_loop3A_63 : i32 to index
      %parallel_loop3A_65 = tpu.vector_load %arg8[%parallel_loop3A_64] {strides = array<i32>} : memref<20000xf32, #tpu.memory_space<vmem>>, vector<16xf32>,
      %parallel_loop3A_66 = arith.index_cast %parallel_loop3A_63 : i32 to index
      %parallel_loop3A_67 = tpu.vector_load %arg6[%parallel_loop3A_66] {strides = array<i32>} : memref<20000xi32, #tpu.memory_space<vmem>>, vector<16xi32>,
      %parallel_loop3A_68 = tpu.vector_load_idx %arg9[%parallel_loop3A_67] : memref<10240xf32, #tpu.memory_space<vmem>>[vector<16xi32>], vector<16xf32>,
      %parallel_loop3A_69 = arith.mulf %parallel_loop3A_65, %parallel_loop3A_68 : vector<16xf32>
      %parallel_loop3A_70 = arith.index_cast %parallel_loop3A_63 : i32 to index
      %parallel_loop3A_71 = tpu.vector_load %arg8[%parallel_loop3A_70] {strides = array<i32>} : memref<20000xf32, #tpu.memory_space<vmem>>, vector<16xf32>,
      tpu.vector_store %arg8[%parallel_loop3A_70], %parallel_loop3A_69 {strides = array<i32>} : memref<20000xf32, #tpu.memory_space<vmem>>, vector<16xf32>,
      %parallel_loop3A_72 = arith.constant 80 : i32
      %parallel_loop3A_73 = arith.muli %parallel_loop3A_47, %parallel_loop3A_72 : i32
      %parallel_loop3A_74 = arith.constant 32 : i32
      %parallel_loop3A_75 = arith.addi %parallel_loop3A_73, %parallel_loop3A_74 : i32
      %parallel_loop3A_76 = arith.index_cast %parallel_loop3A_75 : i32 to index
      %parallel_loop3A_77 = tpu.vector_load %arg8[%parallel_loop3A_76] {strides = array<i32>} : memref<20000xf32, #tpu.memory_space<vmem>>, vector<16xf32>,
      %parallel_loop3A_78 = arith.index_cast %parallel_loop3A_75 : i32 to index
      %parallel_loop3A_79 = tpu.vector_load %arg6[%parallel_loop3A_78] {strides = array<i32>} : memref<20000xi32, #tpu.memory_space<vmem>>, vector<16xi32>,
      %parallel_loop3A_80 = tpu.vector_load_idx %arg9[%parallel_loop3A_79] : memref<10240xf32, #tpu.memory_space<vmem>>[vector<16xi32>], vector<16xf32>,
      %parallel_loop3A_81 = arith.mulf %parallel_loop3A_77, %parallel_loop3A_80 : vector<16xf32>
      %parallel_loop3A_82 = arith.index_cast %parallel_loop3A_75 : i32 to index
      %parallel_loop3A_83 = tpu.vector_load %arg8[%parallel_loop3A_82] {strides = array<i32>} : memref<20000xf32, #tpu.memory_space<vmem>>, vector<16xf32>,
      tpu.vector_store %arg8[%parallel_loop3A_82], %parallel_loop3A_81 {strides = array<i32>} : memref<20000xf32, #tpu.memory_space<vmem>>, vector<16xf32>,
      %parallel_loop3A_84 = arith.constant 80 : i32
      %parallel_loop3A_85 = arith.muli %parallel_loop3A_47, %parallel_loop3A_84 : i32
      %parallel_loop3A_86 = arith.constant 48 : i32
      %parallel_loop3A_87 = arith.addi %parallel_loop3A_85, %parallel_loop3A_86 : i32
      %parallel_loop3A_88 = arith.index_cast %parallel_loop3A_87 : i32 to index
      %parallel_loop3A_89 = tpu.vector_load %arg8[%parallel_loop3A_88] {strides = array<i32>} : memref<20000xf32, #tpu.memory_space<vmem>>, vector<16xf32>,
      %parallel_loop3A_90 = arith.index_cast %parallel_loop3A_87 : i32 to index
      %parallel_loop3A_91 = tpu.vector_load %arg6[%parallel_loop3A_90] {strides = array<i32>} : memref<20000xi32, #tpu.memory_space<vmem>>, vector<16xi32>,
      %parallel_loop3A_92 = tpu.vector_load_idx %arg9[%parallel_loop3A_91] : memref<10240xf32, #tpu.memory_space<vmem>>[vector<16xi32>], vector<16xf32>,
      %parallel_loop3A_93 = arith.mulf %parallel_loop3A_89, %parallel_loop3A_92 : vector<16xf32>
      %parallel_loop3A_94 = arith.index_cast %parallel_loop3A_87 : i32 to index
      %parallel_loop3A_95 = tpu.vector_load %arg8[%parallel_loop3A_94] {strides = array<i32>} : memref<20000xf32, #tpu.memory_space<vmem>>, vector<16xf32>,
      tpu.vector_store %arg8[%parallel_loop3A_94], %parallel_loop3A_93 {strides = array<i32>} : memref<20000xf32, #tpu.memory_space<vmem>>, vector<16xf32>,
      %parallel_loop3A_96 = arith.constant 80 : i32
      %parallel_loop3A_97 = arith.muli %parallel_loop3A_47, %parallel_loop3A_96 : i32
      %parallel_loop3A_98 = arith.constant 64 : i32
      %parallel_loop3A_99 = arith.addi %parallel_loop3A_97, %parallel_loop3A_98 : i32
      %parallel_loop3A_100 = arith.index_cast %parallel_loop3A_99 : i32 to index
      %parallel_loop3A_101 = tpu.vector_load %arg8[%parallel_loop3A_100] {strides = array<i32>} : memref<20000xf32, #tpu.memory_space<vmem>>, vector<16xf32>,
      %parallel_loop3A_102 = arith.index_cast %parallel_loop3A_99 : i32 to index
      %parallel_loop3A_103 = tpu.vector_load %arg6[%parallel_loop3A_102] {strides = array<i32>} : memref<20000xi32, #tpu.memory_space<vmem>>, vector<16xi32>,
      %parallel_loop3A_104 = tpu.vector_load_idx %arg9[%parallel_loop3A_103] : memref<10240xf32, #tpu.memory_space<vmem>>[vector<16xi32>], vector<16xf32>,
      %parallel_loop3A_105 = arith.mulf %parallel_loop3A_101, %parallel_loop3A_104 : vector<16xf32>
      %parallel_loop3A_106 = arith.index_cast %parallel_loop3A_99 : i32 to index
      %parallel_loop3A_107 = tpu.vector_load %arg8[%parallel_loop3A_106] {strides = array<i32>} : memref<20000xf32, #tpu.memory_space<vmem>>, vector<16xf32>,
      tpu.vector_store %arg8[%parallel_loop3A_106], %parallel_loop3A_105 {strides = array<i32>} : memref<20000xf32, #tpu.memory_space<vmem>>, vector<16xf32>,
    } {sc.loop_unroll_factor = 4 : i64, sc.parallel_access}
    "tpu.region"() ({
      %run_scoped3A = tpu.sem_alloc : memref<!tpu.dma_semaphore, #tpu.memory_space<semaphore_mem>>
      %dma_start3A_47 = tpu.memref_slice %arg4[%mul3A_0] : memref<320000xf32, #tpu.memory_space<hbm>> -> memref<20000xf32, #tpu.memory_space<hbm>>
      %dma_start3A_48 = tpu.memref_slice %arg4[%mul3A_0] : memref<320000xf32, #tpu.memory_space<hbm>> -> memref<20000xf32, #tpu.memory_space<hbm>>
      tpu.enqueue_dma source(%arg8 : memref<20000xf32, #tpu.memory_space<vmem>>) target(%dma_start3A_48 : memref<20000xf32, #tpu.memory_space<hbm>>) target_semaphore(%run_scoped3A : memref<!tpu.dma_semaphore, #tpu.memory_space<semaphore_mem>>)
      %dma_wait3A_49 = tpu.memref_slice %arg4[%mul3A_0] : memref<320000xf32, #tpu.memory_space<hbm>> -> memref<20000xf32, #tpu.memory_space<hbm>>
      %dma_wait3A_50 = tpu.memref_slice %arg4[%mul3A_0] : memref<320000xf32, #tpu.memory_space<hbm>> -> memref<20000xf32, #tpu.memory_space<hbm>>
      tpu.wait_dma2 semaphore(%run_scoped3A : memref<!tpu.dma_semaphore, #tpu.memory_space<semaphore_mem>>) src(%arg8 : memref<20000xf32, #tpu.memory_space<vmem>>) dst(%dma_wait3A_50 : memref<20000xf32, #tpu.memory_space<hbm>>)
      tpu.yield
    }) : () -> ()
    "tpu.trace_stop"() : () -> ()
    return
  }
}

module attributes {stable_mosaic.version = 14 : i64} {
  func.func @_st_body(%arg0: memref<10000x128xf32, #tpu.memory_space<vmem>>, %arg1: memref<128x128xf32, #tpu.memory_space<vmem>>, %arg2: memref<256x1x1xf32, #tpu.memory_space<vmem>>, %arg3: memref<20480xf32, #tpu.memory_space<vmem>>) attributes {dimension_semantics = [], scalar_prefetch = 0 : i64, scratch_operands = 0 : i64, tpu.core_type = #tpu.core_type<tc>} {
    %get3A = arith.constant 0 : index
    %get3A_0 = arith.constant 0 : index
    %get3A_1 = arith.constant 0 : index
    %get3A_2 = vector.load %arg2[%get3A, %get3A_0, %get3A_1] : memref<256x1x1xf32, #tpu.memory_space<vmem>>, vector<256x1x1xf32>
    %reshape3A = vector.shape_cast %get3A_2 : vector<256x1x1xf32> to vector<2x128xf32>
    %get3A_3 = arith.constant 0 : index
    %get3A_4 = arith.constant 0 : index
    %get3A_5 = vector.load %arg1[%get3A_3, %get3A_4] : memref<128x128xf32, #tpu.memory_space<vmem>>, vector<128x128xf32>
    %dot_general3A = arith.constant dense<0.000000e+00> : vector<2x128xf32>
    %dot_general3A_6 = tpu.matmul %reshape3A, %get3A_5, %dot_general3A {dimension_numbers = #tpu.dot_dimension_numbers<[1], [1], [0], [0], [0, 0, 1, 0], [], []>, precision = #tpu.contract_precision<fp32>, transpose_lhs_hint = false} : vector<2x128xf32>, vector<128x128xf32>, vector<2x128xf32> -> vector<2x128xf32>
    %get3A_7 = arith.constant 0 : index
    %get3A_8 = arith.constant 0 : index
    %get3A_9 = vector.load %arg0[%get3A_7, %get3A_8] : memref<10000x128xf32, #tpu.memory_space<vmem>>, vector<10000x128xf32>
    %dot_general3A_10 = arith.constant dense<0.000000e+00> : vector<2x10000xf32>
    %dot_general3A_11 = tpu.matmul %dot_general3A_6, %get3A_9, %dot_general3A_10 {dimension_numbers = #tpu.dot_dimension_numbers<[1], [1], [0], [0], [0, 0, 1, 0], [], []>, precision = #tpu.contract_precision<fp32>, transpose_lhs_hint = false} : vector<2x128xf32>, vector<10000x128xf32>, vector<2x10000xf32> -> vector<2x10000xf32>
    %slice3A = vector.extract_strided_slice %dot_general3A_11 {offsets = [0, 0], sizes = [1, 10000], strides = [1, 1]} : vector<2x10000xf32> to vector<1x10000xf32>
    %squeeze3A = vector.shape_cast %slice3A : vector<1x10000xf32> to vector<10000xf32>
    %swap3A = arith.constant 0 : index
    %swap3A_12 = vector.load %arg3[%swap3A] : memref<20480xf32, #tpu.memory_space<vmem>>, vector<10000xf32>
    tpu.vector_store %arg3[%swap3A], %squeeze3A {strides = array<i32>} : memref<20480xf32, #tpu.memory_space<vmem>>, vector<10000xf32>,
    %slice3A_13 = vector.extract_strided_slice %dot_general3A_11 {offsets = [1, 0], sizes = [1, 10000], strides = [1, 1]} : vector<2x10000xf32> to vector<1x10000xf32>
    %squeeze3A_14 = vector.shape_cast %slice3A_13 : vector<1x10000xf32> to vector<10000xf32>
    %swap3A_15 = arith.constant 10240 : index
    %swap3A_16 = vector.load %arg3[%swap3A_15] : memref<20480xf32, #tpu.memory_space<vmem>>, vector<10000xf32>
    tpu.vector_store %arg3[%swap3A_15], %squeeze3A_14 {strides = array<i32>} : memref<20480xf32, #tpu.memory_space<vmem>>, vector<10000xf32>,
    return
  }
}

</mosaic_0001>

<sc_bundles>
// kernel: kernel.4.cloned.1.call-start
scs
__scs_entry_jumppad:
0x0: {  	(pc) =	sbr.rel $0x88, $3  }
0x1: {  	(tag) =	ssettag $0x0;
	lr =	simm.s32 $0x1  }
0x2: {  	[smem:$0x3F9D] =	sst lr;
	_ =	strace $0xD0000000  }
0x3: {  	_ = 	snop  }
0x4: {  	_ = 	snop  }
0x5: {  	_ = 	snop  }
0x6: {  	_ = 	snop  }
0x7: {  	_ = 	snop  }
__scs_overlays_trampoline_lowered:
0x8: {  	[smem:$0x3FAC] =	sst s0  }
0x9: {  	[smem:$0x3FAD] =	sst s1  }
0xa: {  	[smem:$0x3FAE] =	sst s2  }
0xb: {  	[smem:$0x3FAF] =	sst s3  }
0xc: {  	[smem:$0x3FB0] =	sst s4  }
0xd: {  	[smem:$0x3FB1] =	sst s5  }
0xe: {  	[smem:$0x3FB2] =	sst s6  }
0xf: {  	[smem:$0x3FB3] =	sst s7  }
0x10: {  	[smem:$0x3FB4] =	sst s8  }
0x11: {  	[smem:$0x3FB5] =	sst s9;
	s0 =	simm.s32 @!p0 $0x0  }
0x12: {  	s1 =	sld [smem:$0x3F9B];
	s0 =	simm.s32 @p0 $0x1  }
0x13: {  	[smem:$0x3FB6] =	sst s0;
	s0 =	simm.s32 @!p1 $0x0  }
0x14: {  	s2 =	sld [smem:$0x3F9A];
	s0 =	simm.s32 @p1 $0x1  }
0x15: {  	[smem:$0x3FB7] =	sst s0;
	s0 =	simm.s32 @!p2 $0x0  }
0x16: {  	s3 =	sld [smem:$0x3FDB];
	s0 =	simm.s32 @p2 $0x1  }
0x17: {  	s4 =	simm.s32 $0x1BF5;
	[smem:$0x3FB9] =	sst s0  }
0x18: {  	s0 =	sld [smem:$0x3F9C];
	_ =	swait.ge [sflag:s4], $0x0  }
0x19: {  	s7 =	sld [smem:$0x3F9D]  }
0x1a: {  	s8 =	sadd.s32 $0xFFFFE003, lr  }
0x1b: {  	s9 =	sadd.s32 $0xFFFFFEF7, lr;
	s5 =	simm.s32 $0xFFFFFFFF;
	p2 =	slt.u32 s8, $0xFFFFF086  }
0x1c: {  	p1 =	slt.u32 s9, $0xF7A;
	s5 =	simm.s32 @!p2 $0x0  }
0x1d: {  	s5 =	simm.s32 @p1 $0x1;
	p0 =	seq.s32 s7, s2  }
0x1e: {  	s7 =	smul.u32 @!p0 $0xF7A, s2;
	p2 =	seq.s32 @!p0 s5, $0x0  }
0x1f: {  	s9 =	smul.u32 $0xF7A, s1;
	s8 =	simm.s32 @!p0 $0x1BF5;
	p2 =	por !p2, p0  }
0x20: {  	[sflag:s8] =	ssyncset.s32 @!p0 $0xFFFFF086;
	s6 =	sadd.s32 @!p0 s3, s7;
	s7 =	simm.s32 @!p0 $0x108  }
0x21: {  	s3 =	sadd.s32 s3, s9;
	s6 =	sadd.s32 @!p0 $0x88, s6;
	s7 =	simm.s32 @p2 $0x1082  }
0x22: {  	[simem:s7], [sflag:s8] =	dma.local @!p0 [hbm:s6], $0xF7A  }
0x23: {  	s9 =	sor.u32 $0xD0000000, s2;
	s6 =	simm.s32 $0x108;
	_ =	swait.ge @!p0 [sflag:s8], $0x0  }
0x24: {  	s3 =	sadd.s32 $0x88, s3;
	s6 =	simm.s32 @!p1 $0x1082;
	[sflag:s4] =	ssyncset.s32 $0xFFFFF086  }
0x25: {  	[simem:s6], [sflag:s4] =	dma.local [hbm:s3], $0xF7A  }
0x26: {  	[smem:$0x3F9D] =	sst s1;
	(tag) =	ssettag s2;
	_ =	strace s9  }
0x27: {  	s1 =	sld [smem:$0x3FAD]  }
0x28: {  	s2 =	sld [smem:$0x3FAE]  }
0x29: {  	s4 =	sld [smem:$0x3FB0]  }
0x2a: {  	p0 =	seq.s32 s5, $0x0;
	s5 =	sld [smem:$0x3FB1]  }
0x2b: {  	s6 =	sld [smem:$0x3FB2]  }
0x2c: {  	s7 =	sld [smem:$0x3FB3]  }
0x2d: {  	s3 =	simm.s32 $0x108;
	s8 =	sld [smem:$0x3FB4]  }
0x2e: {  	s3 =	simm.s32 @!p0 $0x1082;
	s9 =	sld [smem:$0x3FB5]  }
0x2f: {  	lr =	sadd.s32 s0, s3;
	s0 =	sld [smem:$0x3FAC]  }
0x30: {  	s3 =	sld [smem:$0x3FAF]  }
0x31: {  	[smem:$0x3FB8] =	sst s10  }
0x32: {  	s10 =	sld [smem:$0x3FB6];
	_ =	sdelay $0x3  }
0x33: {  	p0 =	seq.s32 s10, $0x1;
	s10 =	sld [smem:$0x3FB8];
	_ =	sdelay $0x3  }
0x34: {  	[smem:$0x3FB8] =	sst s10  }
0x35: {  	s10 =	sld [smem:$0x3FB7];
	_ =	sdelay $0x3  }
0x36: {  	p1 =	seq.s32 s10, $0x1;
	s10 =	sld [smem:$0x3FB8];
	_ =	sdelay $0x3  }
0x37: {  	[smem:$0x3FB8] =	sst s10  }
0x38: {  	s10 =	sld [smem:$0x3FB9]  }
0x39: {  	_ = 	snop;
	(pc) =	sbr.ind lr, $3  }
0x3a: {  	_ = 	snop  }
0x3b: {  	_ = 	snop  }
0x3c: {  	p2 =	seq.s32 s10, $0x1;
	s10 =	sld [smem:$0x3FB8]  }
0x3d: {  	_ =	shalt  }
0x3e: {  	_ =	shalt  }
0x3f: {  	_ =	shalt  }
0x40: {  	_ =	shalt  }
0x41: {  	_ =	shalt  }
0x42: {  	_ =	shalt  }
0x43: {  	_ =	shalt  }
0x44: {  	_ =	shalt  }
0x45: {  	_ =	shalt  }
0x46: {  	_ =	shalt  }
0x47: {  	_ =	shalt  }
0x48: {  	_ =	shalt  }
0x49: {  	_ =	shalt  }
0x4a: {  	_ =	shalt  }
0x4b: {  	_ =	shalt  }
0x4c: {  	_ =	shalt  }
0x4d: {  	_ =	shalt  }
0x4e: {  	_ =	shalt  }
0x4f: {  	_ =	shalt  }
0x50: {  	_ =	shalt  }
0x51: {  	_ =	shalt  }
0x52: {  	_ =	shalt  }
0x53: {  	_ =	shalt  }
0x54: {  	_ =	shalt  }
0x55: {  	_ =	shalt  }
0x56: {  	_ =	shalt  }
0x57: {  	_ =	shalt  }
0x58: {  	_ =	shalt  }
0x59: {  	_ =	shalt  }
0x5a: {  	_ =	shalt  }
0x5b: {  	_ =	shalt  }
0x5c: {  	_ =	shalt  }
0x5d: {  	_ =	shalt  }
0x5e: {  	_ =	shalt  }
0x5f: {  	_ =	shalt  }
0x60: {  	_ =	shalt  }
0x61: {  	_ =	shalt  }
0x62: {  	_ =	shalt  }
0x63: {  	_ =	shalt  }
0x64: {  	_ =	shalt  }
0x65: {  	_ =	shalt  }
0x66: {  	_ =	shalt  }
0x67: {  	_ =	shalt  }
0x68: {  	_ =	shalt  }
0x69: {  	_ =	shalt  }
0x6a: {  	_ =	shalt  }
0x6b: {  	_ =	shalt  }
0x6c: {  	_ =	shalt  }
0x6d: {  	_ =	shalt  }
0x6e: {  	_ =	shalt  }
0x6f: {  	_ =	shalt  }
0x70: {  	_ =	shalt  }
0x71: {  	_ =	shalt  }
0x72: {  	_ =	shalt  }
0x73: {  	_ =	shalt  }
0x74: {  	_ =	shalt  }
0x75: {  	_ =	shalt  }
0x76: {  	_ =	shalt  }
0x77: {  	_ =	shalt  }
0x78: {  	_ =	shalt  }
0x79: {  	_ =	shalt  }
0x7a: {  	_ =	shalt  }
0x7b: {  	_ =	shalt  }
0x7c: {  	_ =	shalt  }
0x7d: {  	_ =	shalt  }
0x7e: {  	_ =	shalt  }
0x7f: {  	_ =	shalt  }
0x80: {  	_ =	shalt  }
0x81: {  	_ =	shalt  }
0x82: {  	_ =	shalt  }
0x83: {  	_ =	shalt  }
0x84: {  	_ =	shalt  }
0x85: {  	_ =	shalt  }
0x86: {  	_ =	shalt  }
0x87: {  	_ =	shalt  }
.Lfunc_end0:
.L_simem_size_0:
called_computation_lowered:
.L_overlay_start_0:
0x88: {  	s2 =	sld [smem:$0x3FD9]  }
0x89: {  	s3 =	sld [smem:$0x3FFE];
	_ =	sdelay $0x1  }
0x8a: {  	s1 =	srdreg.scid  }
0x8b: {  	s0 =	sand.u32 $0x1, s1  }
0x8c: {  	s17 =	sshll.u32 s0, $0xA;
	s2 =	sadd.s32 s3, s2  }
0x8d: {  	s2 =	sadd.s32 s2, s17  }
0x8e: {  	[smem:$0x3FC4] =	sst s2  }
0x8f: {  	_ = 	snop  }
0x90: {  	s2 =	sld [smem:$0x3FD0];
	(tm) =	ssettm $0x1  }
0x91: {  	s18 =	sld [smem:$0x3FFB];
	_ =	sdelay $0x3  }
0x92: {  	_ =	strace s18  }
0x93: {  	s3 =	sld [smem:$0x3FFC];
	_ =	sdelay $0x3  }
0x94: {  	_ =	strace s3  }
0x95: {  	s3 =	sld [smem:$0x3FFD];
	_ =	sdelay $0x3  }
0x96: {  	_ =	strace s3  }
0x97: {  	_ =	strace $0x8FFFFFFF  }
0x98: {  	s19 =	sld [smem:$0x3FDB];
	_ =	sdelay $0x1  }
0x99: {  	s4 =	simm.s32 $_scs_section_size  }
0x9a: {  	s5 =	simm.s32 $_size__tile_overlayer_lowered;
	s6 =	simm.s32 $_tile_overlayer_lowered  }
0x9b: {  	s22 =	simm.s32 $0x1BFF;
	s21 =	sshll.u32 s6, $0x1;
	s3 =	sadd.s32 s4, s19  }
0x9c: {  	s7 =	simm.s32 $0x0;
	s20 =	sshll.u32 s5, $0x1;
	s5 =	sadd.s32 s21, s3  }
0x9d: {  	[timem:s7], [sflag:s22] =	dma.local [hbm:s5], s20  }
0x9e: {  	_ =	swait.ge [sflag:s22], s20  }
0x9f: {  	s4 =	ssub.s32 $0x0, s20;
	[sflag:s22] =	ssyncset.done $0x0  }
0xa0: {  	[sflag:s22] =	ssyncadd.s32 s4;
	_ =	sdelay $0x1  }
0xa1: {  	s23 =	simm.s32 $0x1B8B  }
0xa2: {  	_ =	swait.ge [sflag:s23], $0x1  }
0xa3: {  	[sflag:s23] =	ssyncset.done $0x0  }
0xa4: {  	s25 =	simm.s32 $0x1B8E;
	s24 =	sld [smem:$0x3FFE];
	[sflag:s23] =	ssyncadd.s32 $0xFFFFFFFF  }
0xa5: {  	s26 =	simm.s32 $execute0_lowered;
	[smem:$0x3FD2] =	sst s25  }
0xa6: {  	s5 =	sshll.u32 s26, $0x1;
	_ =	strace $0x80000046;
	[dreg:$0x1] =	wrdreg $0xFFFFFFFF  }
0xa7: {  	s28 =	simm.s32 $_size_execute0_lowered;
	s3 =	sadd.s32 s3, s5;
	[dreg:$0x0] =	wrdreg $0x0  }
0xa8: {  	s5 =	sshll.u32 s28, $0x1;
	[dreg:$0x2] =	wrdreg s3  }
0xa9: {  	[dreg:$0x3] =	wrdreg s5  }
0xaa: {  	[dreg:$0x4] =	wrdreg $0xC0  }
0xab: {  	_ =	task [dreg:s7], $0x5FFFF  }
0xac: {  	[dreg:$0x1] =	wrdreg $0xFFFFFFFF  }
0xad: {  	[dreg:$0x0] =	wrdreg $0x60  }
0xae: {  	[dreg:$0x2] =	wrdreg s2  }
0xaf: {  	[dreg:$0x3] =	wrdreg s24  }
0xb0: {  	[dreg:$0x4] =	wrdreg $0x167600  }
0xb1: {  	[dreg:$0x5] =	wrdreg $0x164E00  }
0xb2: {  	[dreg:$0x6] =	wrdreg $0x9  }
0xb3: {  	_ =	task.clear_ibuf [dreg:s7], $0x7FFFF;
	_ =	strace $0x90000046  }
0xb4: {  	s29 =	simm.s32 $0x9;
	_ =	strace $0x8000004D  }
0xb5: {  	_ =	swait.ge [sflag:s29], $0x1  }
0xb6: {  	[sflag:s29] =	ssyncadd.s32 $0xFFFFFFFF  }
0xb7: {  	_ =	strace $0x9000004D  }
0xb8: {  	_ =	sfence  }
0xb9: {  	s30 =	sld [smem:$0x0];
	_ =	sdelay $0x2  }
0xba: {  	s31 =	sshll.u32 s1, $0xD;
	s1 =	sshrl.u32 s1, $0x2  }
0xbb: {  	s3 =	sand.u32 $0x4000, s31;
	s1 =	sadd.s32 s1, s30  }
0xbc: {  	s0 =	sor.u32 s3, s0;
	s1 =	sshll.u32 s1, $0x11  }
0xbd: {  	s0 =	sor.u32 s1, s0  }
0xbe: {  	s0 =	sadd.s32 $0x8F2B, s0  }
0xbf: {  	[sflag:s0] =	ssyncadd.remote.s32 $0x1  }
0xc0: {  	_ =	sfence.sel $0xFFFF  }
0xc1: {  	[dreg:$0x0] =	wrdreg $0xFFFFFFFF;
	(pc) =	sbr.abs _section_cstart, $3  }
0xc2: {  	[dreg:$0x1] =	wrdreg $0xFFFFFFFF  }
0xc3: {  	_ =	task.clear_ibuf [dreg:s7], $0x2FFFF;
	_ =	strace $0x9FFFFFFF  }
0xc4: {  	(tm) =	ssettm $0x7FFFFFFF  }
0xc5: {  	_ =	shalt  }
tec
execute0_lowered:
.L_overlay_start_1:
0x0: {  	(tag) =	ssettag $0x1  }
0x1: {  	s0 =	rddreg [dreg:$0x0]  }
0x2: {  	s1 =	rddreg [dreg:$0x1]  }
0x3: {  	s10 =	rddreg [dreg:$0x2]  }
0x4: {  	s3 =	rddreg [dreg:$0x3]  }
0x5: {  	s4 =	simm.s32 $0x0;
	s12 =	stileid.u32;
	s2 =	srdreg.scid  }
0x6: {  	s16 =	simm.s32 $0x2;
	s17 =	simm.s32 $0x1;
	s18 =	simm.s32 $0x50  }
0x7: {  	s19 =	simm.s32 $0x13A60;
	s21 =	simm.s32 $0x0;
	s5 =	smul.u32 $0x4E20, s12  }
0x8: {  	[smem:$0x7FF] =	sst s4;
	s2 =	sand.u32 $0x1, s2;
	s7 =	smul.u32 $0x500, s12  }
0x9: {  	s8 =	smul.u32 $0xA00, s12;
	s31 =	sshll.u32 s12, $0x6;
	_ =	strace $0x80000047  }
0xa: {  	s2 =	ssub.s32 $0x2, s2;
	s13 =	sor.u32 $0x1C01, s31;
	s5 =	sshrl.u32 s5, $0x3  }
0xb: {  	s6 =	sshrl.u32 s2, $0x1;
	s9 =	sshrl.u32 s7, $0x3;
	s11 =	sadd.s32 s7, s10  }
0xc: {  	s30 =	sshrl.u32 s8, $0x2;
	s1 =	sadd.s32 s5, s1;
	s2 =	ssub.s32 s2, s6  }
0xd: {  	s7 =	sadd.s32 s0, s9;
	s8 =	sadd.s32 s30, s3;
	s5 =	sadd.s32 $0xA00, s1  }
0xe: {  	s14 =	sshrl.u32 s11, $0x3;
	s29 =	sadd.s32 $0xA640, s1;
	[dreg:$0x5] =	wrdreg s5  }
0xf: {  	v0 =	vimm.f32 $0.0e+00;
	s9 =	sadd.s32 $0x14400, s1;
	s10 =	smax.u32 s2, $0x1;
	[dreg:$0x6] =	wrdreg s29  }
.LBB2_1:
0x10: {  	_ =	strace $0x80000048  }
0x11: {  	s1 =	simm.s32 $0x5000;
	s0 =	rddreg [dreg:$0x5]  }
0x12: {  	[tilespmem:s1], [sflag:$0x1] =	stream.linear.gather [hbm4b:s0+s4], $0x4E20, $0x200038;
	[tilespmem:$0x16C60] =	vst v63  }
0x13: {  	s23 =	simm.s32 $0x9E20;
	s22 =	rddreg [dreg:$0x6]  }
0x14: {  	[tilespmem:s23], [sflag:$0x1] =	stream.linear.gather [hbm4b:s22+s4], $0x4E20, $0x200038;
	[tilespmem:$0x16C60] =	vst v63  }
0x15: {  	[spmem:s14], [sflag:s13] =	dma.local [hbm:s7], $0xA0;
	[tilespmem:$0x16260] =	vst v0  }
0x16: {  	[tilespmem:$0x16270] =	vst v0  }
0x17: {  	[tilespmem:$0x16280] =	vst v0  }
0x18: {  	[tilespmem:$0x16290] =	vst v0  }
0x19: {  	[tilespmem:$0x162A0] =	vst v0  }
0x1a: {  	[tilespmem:$0x162B0] =	vst v0  }
0x1b: {  	[tilespmem:$0x162C0] =	vst v0  }
0x1c: {  	[tilespmem:$0x162D0] =	vst v0  }
0x1d: {  	[tilespmem:$0x162E0] =	vst v0  }
0x1e: {  	[tilespmem:$0x162F0] =	vst v0  }
0x1f: {  	[tilespmem:$0x16300] =	vst v0  }
0x20: {  	[tilespmem:$0x16310] =	vst v0  }
0x21: {  	[tilespmem:$0x16320] =	vst v0  }
0x22: {  	[tilespmem:$0x16330] =	vst v0  }
0x23: {  	[tilespmem:$0x16340] =	vst v0  }
0x24: {  	[tilespmem:$0x16350] =	vst v0  }
0x25: {  	[tilespmem:$0x16360] =	vst v0  }
0x26: {  	[tilespmem:$0x16370] =	vst v0  }
0x27: {  	[tilespmem:$0x16380] =	vst v0  }
0x28: {  	[tilespmem:$0x16390] =	vst v0  }
0x29: {  	[tilespmem:$0x163A0] =	vst v0  }
0x2a: {  	[tilespmem:$0x163B0] =	vst v0  }
0x2b: {  	[tilespmem:$0x163C0] =	vst v0  }
0x2c: {  	[tilespmem:$0x163D0] =	vst v0  }
0x2d: {  	[tilespmem:$0x163E0] =	vst v0  }
0x2e: {  	[tilespmem:$0x163F0] =	vst v0  }
0x2f: {  	[tilespmem:$0x16400] =	vst v0  }
0x30: {  	[tilespmem:$0x16410] =	vst v0  }
0x31: {  	[tilespmem:$0x16420] =	vst v0  }
0x32: {  	[tilespmem:$0x16430] =	vst v0  }
0x33: {  	[tilespmem:$0x16440] =	vst v0  }
0x34: {  	[tilespmem:$0x16450] =	vst v0  }
0x35: {  	[tilespmem:$0x16460] =	vst v0  }
0x36: {  	[tilespmem:$0x16470] =	vst v0  }
0x37: {  	[tilespmem:$0x16480] =	vst v0  }
0x38: {  	[tilespmem:$0x16490] =	vst v0  }
0x39: {  	[tilespmem:$0x164A0] =	vst v0  }
0x3a: {  	[tilespmem:$0x164B0] =	vst v0  }
0x3b: {  	[tilespmem:$0x164C0] =	vst v0  }
0x3c: {  	s24 =	simm.s32 $0x16260;
	[tilespmem:$0x164D0] =	vst v0  }
0x3d: {  	[spmem:s8] =	stream.linear.scatter [tilespmem:s24], [sflag:$0x2], $0x280, $0x200038;
	[tilespmem:$0x16C60] =	vst v63  }
0x3e: {  	_ =	swait.ge [sflag:s16], $0x280  }
0x3f: {  	[sflag:s16] =	ssyncset.done $0x0  }
0x40: {  	[sflag:s16] =	ssyncadd.s32 $0xFFFFFD80  }
0x41: {  	_ =	swait.ge [sflag:s17], $0xA0  }
0x42: {  	[sflag:s17] =	ssyncset.done $0x0  }
0x43: {  	[sflag:s17] =	ssyncadd.s32 $0xFFFFFF60  }
0x44: {  	[bflag:$0x0] =	sbarrier.arrive $0xFFFF  }
0x45: {  	s25 =	rddreg [dreg:$0x2]  }
0x46: {  	[tilespmem:s4], [sflag:$0x2] =	stream.linear.gather [spmem:s25], $0x5000, $0x200038;
	[tilespmem:$0x16C60] =	vst v63  }
0x47: {  	_ =	swait.ge [sflag:s16], $0x5000  }
0x48: {  	[sflag:s16] =	ssyncset.done $0x0  }
0x49: {  	[sflag:s16] =	ssyncadd.s32 $0xFFFFB000  }
0x4a: {  	_ =	swait.ge [sflag:s17], $0x4E20  }
0x4b: {  	[sflag:s17] =	ssyncset.done $0x0  }
0x4c: {  	[sflag:s17] =	ssyncadd.s32 $0xFFFFB1E0  }
0x4d: {  	_ =	swait.ge [sflag:s17], $0x4E20  }
0x4e: {  	[sflag:s17] =	ssyncset.done $0x0  }
0x4f: {  	[sflag:s17] =	ssyncadd.s32 $0xFFFFB1E0  }
0x50: {  	_ =	strace $0x90000048  }
0x51: {  	s22 =	simm.s32 $0x0;
	_ =	strace $0x80000049  }
0x52: {  	v1 =	vld [tilespmem:s22+$0x9E20]  }
0x53: {  	v2 =	vld [tilespmem:s22+$0x5000];
	_ =	sdelay $0x3  }
0x54: {  	v1 =	vadd.s32 $0x2800, v1;
	_ =	sdelay $0x3  }
0x55: {  	v2 =	vld.idx.msk [tilespmem:v2+s4+$0x0], $0xffff  }
0x56: {  	v1 =	vld.idx.msk [tilespmem:v1+s4+$0x0], $0xffff;
	_ =	sdelay $0x4  }
0x57: {  	v1 =	vadd.f32 v1, v2;
	_ =	sdelay $0x1  }
0x58: {  	v2 =	vmul.f32 $2.000000030e-01, v1;
	_ =	sdelay $0x1  }
0x59: {  	v1 =	vmax.f32 v1, v2  }
0x5a: {  	v1 =	vmul.f32 $1.442695020e+00, v1;
	_ =	sdelay $0x1  }
0x5b: {  	(erf) = vpow2.f32 v1;
	_ =	sdelay $0x1  }
0x5c: {  	v1 =	vld [tilespmem:s22+$0x9E30]  }
0x5d: {  	v2 =	vld [tilespmem:s22+$0x5010];
	_ =	sdelay $0x3  }
0x5e: {  	v1 =	vadd.s32 $0x2800, v1;
	_ =	sdelay $0x1  }
0x5f: {  	v3 =	vpop (erf)  }
0x60: {  	[tilespmem:s22+$0xEC40] =	vst v3  }
0x61: {  	v2 =	vld.idx.msk [tilespmem:v2+s4+$0x0], $0xffff  }
0x62: {  	v1 =	vld.idx.msk [tilespmem:v1+s4+$0x0], $0xffff;
	_ =	sdelay $0x4  }
0x63: {  	v1 =	vadd.f32 v1, v2;
	_ =	sdelay $0x1  }
0x64: {  	v2 =	vmul.f32 $2.000000030e-01, v1;
	_ =	sdelay $0x1  }
0x65: {  	v1 =	vmax.f32 v1, v2  }
0x66: {  	v1 =	vmul.f32 $1.442695020e+00, v1;
	_ =	sdelay $0x1  }
0x67: {  	(erf) = vpow2.f32 v1;
	_ =	sdelay $0x1  }
0x68: {  	v1 =	vld [tilespmem:s22+$0x9E40]  }
0x69: {  	v2 =	vld [tilespmem:s22+$0x5020];
	_ =	sdelay $0x3  }
0x6a: {  	v1 =	vadd.s32 $0x2800, v1;
	_ =	sdelay $0x1  }
0x6b: {  	v3 =	vpop (erf)  }
0x6c: {  	[tilespmem:s22+$0xEC50] =	vst v3  }
0x6d: {  	v2 =	vld.idx.msk [tilespmem:v2+s4+$0x0], $0xffff  }
0x6e: {  	v1 =	vld.idx.msk [tilespmem:v1+s4+$0x0], $0xffff;
	_ =	sdelay $0x4  }
0x6f: {  	v1 =	vadd.f32 v1, v2;
	_ =	sdelay $0x1  }
0x70: {  	v2 =	vmul.f32 $2.000000030e-01, v1;
	_ =	sdelay $0x1  }
0x71: {  	v1 =	vmax.f32 v1, v2  }
0x72: {  	v1 =	vmul.f32 $1.442695020e+00, v1;
	_ =	sdelay $0x1  }
0x73: {  	(erf) = vpow2.f32 v1;
	_ =	sdelay $0x1  }
0x74: {  	v1 =	vld [tilespmem:s22+$0x9E50]  }
0x75: {  	v2 =	vld [tilespmem:s22+$0x5030];
	_ =	sdelay $0x1  }
0x76: {  	s23 =	simm.s32 $0x140  }
0x77: {  	v3 =	vld [tilespmem:s23+$0x9E20]  }
0x78: {  	v4 =	vld [tilespmem:s23+$0x5000];
	v1 =	vadd.s32 $0x2800, v1;
	_ =	sdelay $0x1  }
0x79: {  	v7 =	vpop (erf)  }
0x7a: {  	[tilespmem:s22+$0xEC60] =	vst v7  }
0x7b: {  	v3 =	vadd.s32 $0x2800, v3;
	v2 =	vld.idx.msk [tilespmem:v2+s4+$0x0], $0xffff  }
0x7c: {  	v1 =	vld.idx.msk [tilespmem:v1+s4+$0x0], $0xffff;
	_ =	sdelay $0x2  }
0x7d: {  	v4 =	vld.idx.msk [tilespmem:v4+s4+$0x0], $0xffff  }
0x7e: {  	v3 =	vld.idx.msk [tilespmem:v3+s4+$0x0], $0xffff  }
0x7f: {  	v1 =	vadd.f32 v1, v2;
	_ =	sdelay $0x1  }
0x80: {  	v2 =	vmul.f32 $2.000000030e-01, v1;
	_ =	sdelay $0x1  }
0x81: {  	v1 =	vmax.f32 v1, v2;
	v2 =	vadd.f32 v3, v4  }
0x82: {  	v1 =	vmul.f32 $1.442695020e+00, v1  }
0x83: {  	v3 =	vmul.f32 $2.000000030e-01, v2  }
0x84: {  	(erf) = vpow2.f32 v1  }
0x85: {  	v1 =	vmax.f32 v2, v3  }
0x86: {  	v6 =	vld [tilespmem:s22+$0x9E60];
	v1 =	vmul.f32 $1.442695020e+00, v1  }
0x87: {  	v5 =	vld [tilespmem:s22+$0x5040]  }
0x88: {  	(erf) = vpow2.f32 v1;
	_ =	sdelay $0x1  }
0x89: {  	v1 =	vld [tilespmem:s23+$0x9E30]  }
0x8a: {  	v2 =	vadd.s32 $0x2800, v6;
	v3 =	vld [tilespmem:s23+$0x5010];
	_ =	sdelay $0x1  }
0x8b: {  	v4 =	vpop (erf)  }
0x8c: {  	[tilespmem:s22+$0xEC70] =	vst v4  }
0x8d: {  	v1 =	vadd.s32 $0x2800, v1;
	v4 =	vld.idx.msk [tilespmem:v5+s4+$0x0], $0xffff  }
0x8e: {  	v2 =	vld.idx.msk [tilespmem:v2+s4+$0x0], $0xffff  }
0x8f: {  	v5 =	vpop (erf)  }
0x90: {  	[tilespmem:s23+$0xEC40] =	vst v5  }
0x91: {  	v3 =	vld.idx.msk [tilespmem:v3+s4+$0x0], $0xffff  }
0x92: {  	v1 =	vld.idx.msk [tilespmem:v1+s4+$0x0], $0xffff  }
0x93: {  	v2 =	vadd.f32 v2, v4;
	_ =	sdelay $0x1  }
0x94: {  	v4 =	vmul.f32 $2.000000030e-01, v2;
	_ =	sdelay $0x1  }
0x95: {  	v2 =	vmax.f32 v2, v4;
	v1 =	vadd.f32 v1, v3  }
0x96: {  	v2 =	vmul.f32 $1.442695020e+00, v2  }
0x97: {  	v3 =	vmul.f32 $2.000000030e-01, v1  }
0x98: {  	(erf) = vpow2.f32 v2  }
0x99: {  	v1 =	vmax.f32 v1, v3  }
0x9a: {  	v1 =	vmul.f32 $1.442695020e+00, v1;
	_ =	sdelay $0x1  }
0x9b: {  	(erf) = vpow2.f32 v1;
	_ =	sdelay $0x1  }
0x9c: {  	v1 =	vld [tilespmem:s23+$0x9E40]  }
0x9d: {  	v2 =	vld [tilespmem:s23+$0x5020];
	_ =	sdelay $0x1  }
0x9e: {  	v3 =	vpop (erf)  }
0x9f: {  	s26 =	simm.s32 $0x5000;
	s29 =	simm.s32 $0xEC40;
	[tilespmem:s22+$0xEC80] =	vst v3  }
0xa0: {  	v1 =	vadd.s32 $0x2800, v1;
	[spmem:s3] =	stream.indirect.scatter.add.f32 [tilespmem:s29], [sflag:$0x1], $0x1, s26, s18, $0x2000b8;
	[tilespmem:$0x16C60] =	vst v63  }
0xa1: {  	v3 =	vld [tilespmem:s22+$0x9E70]  }
0xa2: {  	v4 =	vld [tilespmem:s22+$0x5050];
	v5 =	vpop (erf)  }
0xa3: {  	[tilespmem:s23+$0xEC50] =	vst v5  }
0xa4: {  	v2 =	vld.idx.msk [tilespmem:v2+s4+$0x0], $0xffff  }
0xa5: {  	v1 =	vld.idx.msk [tilespmem:v1+s4+$0x0], $0xffff  }
0xa6: {  	v3 =	vadd.s32 $0x2800, v3;
	_ =	sdelay $0x3  }
0xa7: {  	v4 =	vld.idx.msk [tilespmem:v4+s4+$0x0], $0xffff;
	v1 =	vadd.f32 v1, v2  }
0xa8: {  	v2 =	vld.idx.msk [tilespmem:v3+s4+$0x0], $0xffff  }
0xa9: {  	v3 =	vmul.f32 $2.000000030e-01, v1;
	_ =	sdelay $0x1  }
0xaa: {  	v1 =	vmax.f32 v1, v3  }
0xab: {  	v1 =	vmul.f32 $1.442695020e+00, v1  }
0xac: {  	v2 =	vadd.f32 v2, v4  }
0xad: {  	(erf) = vpow2.f32 v1  }
0xae: {  	v1 =	vmul.f32 $2.000000030e-01, v2  }
0xaf: {  	v3 =	vld [tilespmem:s23+$0x9E50]  }
0xb0: {  	v4 =	vld [tilespmem:s23+$0x5030];
	v1 =	vmax.f32 v2, v1  }
0xb1: {  	s24 =	simm.s32 $0x280;
	v1 =	vmul.f32 $1.442695020e+00, v1  }
0xb2: {  	v5 =	vld [tilespmem:s24+$0x9E20]  }
0xb3: {  	(erf) = vpow2.f32 v1  }
0xb4: {  	v2 =	vld [tilespmem:s22+$0x9E80];
	v1 =	vadd.s32 $0x2800, v3  }
0xb5: {  	v3 =	vld [tilespmem:s24+$0x5000]  }
0xb6: {  	v8 =	vpop (erf)  }
0xb7: {  	v5 =	vadd.s32 $0x2800, v5;
	[tilespmem:s23+$0xEC60] =	vst v8;
	v8 =	vld [tilespmem:s22+$0x5060]  }
0xb8: {  	v4 =	vld.idx.msk [tilespmem:v4+s4+$0x0], $0xffff  }
0xb9: {  	v2 =	vadd.s32 $0x2800, v2;
	v1 =	vld.idx.msk [tilespmem:v1+s4+$0x0], $0xffff;
	_ =	sdelay $0x2  }
0xba: {  	v5 =	vld.idx.msk [tilespmem:v5+s4+$0x0], $0xffff;
	v9 =	vpop (erf)  }
0xbb: {  	v3 =	vld.idx.msk [tilespmem:v3+s4+$0x0], $0xffff;
	[tilespmem:s22+$0xEC90] =	vst v9  }
0xbc: {  	v1 =	vadd.f32 v1, v4;
	v2 =	vld.idx.msk [tilespmem:v2+s4+$0x0], $0xffff  }
0xbd: {  	v4 =	vld.idx.msk [tilespmem:v8+s4+$0x0], $0xffff  }
0xbe: {  	v8 =	vmul.f32 $2.000000030e-01, v1;
	_ =	sdelay $0x1  }
0xbf: {  	v3 =	vadd.f32 v5, v3;
	v1 =	vmax.f32 v1, v8  }
0xc0: {  	v1 =	vmul.f32 $1.442695020e+00, v1  }
0xc1: {  	v5 =	vmul.f32 $2.000000030e-01, v3;
	v2 =	vadd.f32 v2, v4  }
0xc2: {  	(erf) = vpow2.f32 v1  }
0xc3: {  	v1 =	vmax.f32 v3, v5;
	v3 =	vmul.f32 $2.000000030e-01, v2  }
0xc4: {  	v7 =	vld [tilespmem:s23+$0x9E60];
	v1 =	vmul.f32 $1.442695020e+00, v1  }
0xc5: {  	v6 =	vld [tilespmem:s23+$0x5040];
	v2 =	vmax.f32 v2, v3  }
0xc6: {  	(erf) = vpow2.f32 v1;
	v1 =	vmul.f32 $1.442695020e+00, v2  }
0xc7: {  	v4 =	vld [tilespmem:s24+$0x5010]  }
0xc8: {  	v3 =	vld [tilespmem:s24+$0x9E30];
	(erf) = vpow2.f32 v1  }
0xc9: {  	v2 =	vld [tilespmem:s22+$0x9E90];
	v1 =	vadd.s32 $0x2800, v7;
	_ =	sdelay $0x1  }
0xca: {  	v5 =	vpop (erf)  }
0xcb: {  	[tilespmem:s23+$0xEC70] =	vst v5;
	v5 =	vld [tilespmem:s22+$0x5070]  }
0xcc: {  	v3 =	vadd.s32 $0x2800, v3;
	v6 =	vld.idx.msk [tilespmem:v6+s4+$0x0], $0xffff  }
0xcd: {  	v2 =	vadd.s32 $0x2800, v2;
	v1 =	vld.idx.msk [tilespmem:v1+s4+$0x0], $0xffff  }
0xce: {  	v7 =	vpop (erf)  }
0xcf: {  	[tilespmem:s24+$0xEC40] =	vst v7  }
0xd0: {  	v4 =	vld.idx.msk [tilespmem:v4+s4+$0x0], $0xffff;
	v7 =	vpop (erf)  }
0xd1: {  	v3 =	vld.idx.msk [tilespmem:v3+s4+$0x0], $0xffff;
	[tilespmem:s22+$0xECA0] =	vst v7  }
0xd2: {  	v1 =	vadd.f32 v1, v6;
	v2 =	vld.idx.msk [tilespmem:v2+s4+$0x0], $0xffff  }
0xd3: {  	v5 =	vld.idx.msk [tilespmem:v5+s4+$0x0], $0xffff  }
0xd4: {  	v6 =	vmul.f32 $2.000000030e-01, v1;
	_ =	sdelay $0x1  }
0xd5: {  	v3 =	vadd.f32 v3, v4;
	v1 =	vmax.f32 v1, v6  }
0xd6: {  	v1 =	vmul.f32 $1.442695020e+00, v1  }
0xd7: {  	v4 =	vmul.f32 $2.000000030e-01, v3;
	v2 =	vadd.f32 v2, v5  }
0xd8: {  	(erf) = vpow2.f32 v1  }
0xd9: {  	v1 =	vmax.f32 v3, v4;
	v3 =	vmul.f32 $2.000000030e-01, v2  }
0xda: {  	v1 =	vmul.f32 $1.442695020e+00, v1  }
0xdb: {  	v2 =	vmax.f32 v2, v3  }
0xdc: {  	(erf) = vpow2.f32 v1;
	v1 =	vmul.f32 $1.442695020e+00, v2;
	_ =	sdelay $0x1  }
0xdd: {  	v2 =	vld [tilespmem:s24+$0x9E40];
	(erf) = vpow2.f32 v1  }
0xde: {  	v1 =	vld [tilespmem:s24+$0x5020]  }
0xdf: {  	v3 =	vld [tilespmem:s22+$0x9EA0]  }
0xe0: {  	v5 =	vld [tilespmem:s22+$0x5080];
	v4 =	vpop (erf)  }
0xe1: {  	s2 =	simm.s32 $0x5140;
	s5 =	simm.s32 $0xED80;
	[tilespmem:s23+$0xEC80] =	vst v4  }
0xe2: {  	v2 =	vadd.s32 $0x2800, v2;
	[spmem:s3] =	stream.indirect.scatter.add.f32 [tilespmem:s5], [sflag:$0x1], $0x1, s2, s18, $0x2000b8;
	[tilespmem:$0x16C60] =	vst v63  }
0xe3: {  	v4 =	vld [tilespmem:s23+$0x9E70]  }
0xe4: {  	v3 =	vadd.s32 $0x2800, v3;
	v6 =	vld [tilespmem:s23+$0x5050];
	v7 =	vpop (erf)  }
0xe5: {  	[tilespmem:s24+$0xEC50] =	vst v7  }
0xe6: {  	v1 =	vld.idx.msk [tilespmem:v1+s4+$0x0], $0xffff;
	v7 =	vpop (erf)  }
0xe7: {  	v2 =	vld.idx.msk [tilespmem:v2+s4+$0x0], $0xffff;
	[tilespmem:s22+$0xECB0] =	vst v7  }
0xe8: {  	v4 =	vadd.s32 $0x2800, v4;
	v5 =	vld.idx.msk [tilespmem:v5+s4+$0x0], $0xffff  }
0xe9: {  	v3 =	vld.idx.msk [tilespmem:v3+s4+$0x0], $0xffff;
	_ =	sdelay $0x2  }
0xea: {  	v6 =	vld.idx.msk [tilespmem:v6+s4+$0x0], $0xffff;
	v1 =	vadd.f32 v2, v1  }
0xeb: {  	v2 =	vld.idx.msk [tilespmem:v4+s4+$0x0], $0xffff  }
0xec: {  	v4 =	vmul.f32 $2.000000030e-01, v1;
	v3 =	vadd.f32 v3, v5;
	_ =	sdelay $0x1  }
0xed: {  	v1 =	vmax.f32 v1, v4;
	v4 =	vmul.f32 $2.000000030e-01, v3  }
0xee: {  	v1 =	vmul.f32 $1.442695020e+00, v1  }
0xef: {  	v2 =	vadd.f32 v2, v6;
	v3 =	vmax.f32 v3, v4  }
0xf0: {  	s25 =	simm.s32 $0x3C0;
	(erf) = vpow2.f32 v1;
	v1 =	vmul.f32 $1.442695020e+00, v3  }
0xf1: {  	v7 =	vld [tilespmem:s25+$0x9E20];
	v4 =	vmul.f32 $2.000000030e-01, v2  }
0xf2: {  	v5 =	vld [tilespmem:s24+$0x9E50];
	(erf) = vpow2.f32 v1  }
0xf3: {  	v1 =	vld [tilespmem:s24+$0x5030];
	v2 =	vmax.f32 v2, v4  }
0xf4: {  	v4 =	vld [tilespmem:s22+$0x9EB0];
	v2 =	vmul.f32 $1.442695020e+00, v2  }
0xf5: {  	v3 =	vld [tilespmem:s22+$0x5090]  }
0xf6: {  	(erf) = vpow2.f32 v2  }
0xf7: {  	v6 =	vld [tilespmem:s23+$0x9E80];
	v2 =	vadd.s32 $0x2800, v5  }
0xf8: {  	v5 =	vld [tilespmem:s25+$0x5000]  }
0xf9: {  	v10 =	vpop (erf);
	v4 =	vadd.s32 $0x2800, v4  }
0xfa: {  	v7 =	vadd.s32 $0x2800, v7;
	[tilespmem:s24+$0xEC60] =	vst v10;
	v10 =	vld [tilespmem:s23+$0x5060]  }
0xfb: {  	v1 =	vld.idx.msk [tilespmem:v1+s4+$0x0], $0xffff;
	v11 =	vpop (erf)  }
0xfc: {  	v6 =	vadd.s32 $0x2800, v6;
	v2 =	vld.idx.msk [tilespmem:v2+s4+$0x0], $0xffff;
	[tilespmem:s22+$0xECC0] =	vst v11  }
0xfd: {  	v3 =	vld.idx.msk [tilespmem:v3+s4+$0x0], $0xffff  }
0xfe: {  	v4 =	vld.idx.msk [tilespmem:v4+s4+$0x0], $0xffff  }
0xff: {  	v7 =	vld.idx.msk [tilespmem:v7+s4+$0x0], $0xffff;
	v11 =	vpop (erf)  }
0x100: {  	v5 =	vld.idx.msk [tilespmem:v5+s4+$0x0], $0xffff;
	[tilespmem:s23+$0xEC90] =	vst v11  }
0x101: {  	v1 =	vadd.f32 v2, v1;
	v2 =	vld.idx.msk [tilespmem:v6+s4+$0x0], $0xffff  }
0x102: {  	v6 =	vld.idx.msk [tilespmem:v10+s4+$0x0], $0xffff  }
0x103: {  	v10 =	vmul.f32 $2.000000030e-01, v1;
	v3 =	vadd.f32 v4, v3;
	_ =	sdelay $0x1  }
0x104: {  	v5 =	vadd.f32 v7, v5;
	v1 =	vmax.f32 v1, v10;
	v4 =	vmul.f32 $2.000000030e-01, v3  }
0x105: {  	v1 =	vmul.f32 $1.442695020e+00, v1  }
0x106: {  	v3 =	vmax.f32 v3, v4;
	v4 =	vmul.f32 $2.000000030e-01, v5;
	v2 =	vadd.f32 v2, v6  }
0x107: {  	v3 =	vmul.f32 $1.442695020e+00, v3;
	(erf) = vpow2.f32 v1  }
0x108: {  	v1 =	vmax.f32 v5, v4;
	v4 =	vmul.f32 $2.000000030e-01, v2  }
0x109: {  	v9 =	vld [tilespmem:s24+$0x9E60];
	v1 =	vmul.f32 $1.442695020e+00, v1;
	(erf) = vpow2.f32 v3  }
0x10a: {  	v8 =	vld [tilespmem:s24+$0x5040];
	v2 =	vmax.f32 v2, v4  }
0x10b: {  	(erf) = vpow2.f32 v1;
	v1 =	vmul.f32 $1.442695020e+00, v2  }
0x10c: {  	v3 =	vld [tilespmem:s25+$0x9E30]  }
0x10d: {  	v2 =	vld [tilespmem:s23+$0x9E90];
	(erf) = vpow2.f32 v1  }
0x10e: {  	v4 =	vadd.s32 $0x2800, v9;
	v1 =	vld [tilespmem:s25+$0x5010];
	_ =	sdelay $0x1  }
0x10f: {  	v5 =	vpop (erf)  }
0x110: {  	v6 =	vld [tilespmem:s23+$0x5070];
	[tilespmem:s24+$0xEC70] =	vst v5  }
0x111: {  	v3 =	vadd.s32 $0x2800, v3;
	v5 =	vpop (erf);
	v7 =	vld.idx.msk [tilespmem:v8+s4+$0x0], $0xffff  }
0x112: {  	s6 =	simm.s32 $0x5050;
	s11 =	simm.s32 $0xEC90;
	v2 =	vadd.s32 $0x2800, v2;
	v4 =	vld.idx.msk [tilespmem:v4+s4+$0x0], $0xffff;
	[tilespmem:s22+$0xECD0] =	vst v5  }
0x113: {  	v5 =	vpop (erf);
	[spmem:s3] =	stream.indirect.scatter.add.f32 [tilespmem:s11], [sflag:$0x1], $0x1, s6, s18, $0x2000b8;
	[tilespmem:$0x16C60] =	vst v63  }
0x114: {  	[tilespmem:s25+$0xEC40] =	vst v5;
	v5 =	vld [tilespmem:s22+$0x9EC0]  }
0x115: {  	v1 =	vld.idx.msk [tilespmem:v1+s4+$0x0], $0xffff;
	v8 =	vpop (erf)  }
0x116: {  	v3 =	vld.idx.msk [tilespmem:v3+s4+$0x0], $0xffff;
	[tilespmem:s23+$0xECA0] =	vst v8  }
0x117: {  	v4 =	vadd.f32 v4, v7;
	v2 =	vld.idx.msk [tilespmem:v2+s4+$0x0], $0xffff  }
0x118: {  	v6 =	vld.idx.msk [tilespmem:v6+s4+$0x0], $0xffff  }
0x119: {  	v8 =	vld [tilespmem:s22+$0x50A0];
	v7 =	vmul.f32 $2.000000030e-01, v4;
	_ =	sdelay $0x1  }
0x11a: {  	v1 =	vadd.f32 v3, v1;
	v3 =	vadd.s32 $0x2800, v5;
	v4 =	vmax.f32 v4, v7  }
0x11b: {  	v4 =	vmul.f32 $1.442695020e+00, v4  }
0x11c: {  	v2 =	vadd.f32 v2, v6  }
0x11d: {  	v5 =	vmul.f32 $2.000000030e-01, v1;
	(erf) = vpow2.f32 v4  }
0x11e: {  	v4 =	vmul.f32 $2.000000030e-01, v2  }
0x11f: {  	v1 =	vmax.f32 v1, v5;
	v3 =	vld.idx.msk [tilespmem:v3+s4+$0x0], $0xffff  }
0x120: {  	v1 =	vmul.f32 $1.442695020e+00, v1;
	v2 =	vmax.f32 v2, v4;
	v4 =	vld.idx.msk [tilespmem:v8+s4+$0x0], $0xffff;
	_ =	sdelay $0x1  }
0x121: {  	(erf) = vpow2.f32 v1;
	v1 =	vmul.f32 $1.442695020e+00, v2;
	_ =	sdelay $0x1  }
0x122: {  	v2 =	vld [tilespmem:s25+$0x9E40];
	(erf) = vpow2.f32 v1  }
0x123: {  	v1 =	vld [tilespmem:s25+$0x5020];
	v3 =	vadd.f32 v3, v4  }
0x124: {  	v6 =	vpop (erf)  }
0x125: {  	v5 =	vld [tilespmem:s23+$0x9EA0];
	[tilespmem:s24+$0xEC80] =	vst v6;
	v6 =	vmul.f32 $2.000000030e-01, v3  }
0x126: {  	v4 =	vld [tilespmem:s23+$0x5080]  }
0x127: {  	s12 =	simm.s32 $0x5280;
	s15 =	simm.s32 $0xEEC0;
	v2 =	vadd.s32 $0x2800, v2  }
0x128: {  	v7 =	vld [tilespmem:s22+$0x9ED0];
	[spmem:s3] =	stream.indirect.scatter.add.f32 [tilespmem:s15], [sflag:$0x1], $0x1, s12, s18, $0x2000b8;
	v3 =	vmax.f32 v3, v6  }
0x129: {  	v8 =	vld [tilespmem:s24+$0x9E70];
	v3 =	vmul.f32 $1.442695020e+00, v3;
	v6 =	vpop (erf)  }
0x12a: {  	v5 =	vadd.s32 $0x2800, v5;
	v9 =	vld [tilespmem:s24+$0x5050];
	[tilespmem:s25+$0xEC50] =	vst v6  }
0x12b: {  	v6 =	vpop (erf);
	(erf) = vpow2.f32 v3;
	v1 =	vld.idx.msk [tilespmem:v1+s4+$0x0], $0xffff  }
0x12c: {  	v2 =	vld.idx.msk [tilespmem:v2+s4+$0x0], $0xffff  }
0x12d: {  	[tilespmem:s23+$0xECB0] =	vst v6;
	v6 =	vld [tilespmem:s22+$0x50B0]  }
0x12e: {  	v3 =	vld.idx.msk [tilespmem:v4+s4+$0x0], $0xffff  }
0x12f: {  	v5 =	vld.idx.msk [tilespmem:v5+s4+$0x0], $0xffff  }
0x130: {  	v4 =	vadd.s32 $0x2800, v8;
	_ =	sdelay $0x1  }
0x131: {  	v7 =	vadd.s32 $0x2800, v7;
	v11 =	vadd.f32 v2, v1;
	_ =	sdelay $0x1  }
0x132: {  	v9 =	vld.idx.msk [tilespmem:v9+s4+$0x0], $0xffff;
	v3 =	vadd.f32 v5, v3;
	v12 =	vmul.f32 $2.000000030e-01, v11;
	v5 =	vpop (erf)  }
0x133: {  	v4 =	vld.idx.msk [tilespmem:v4+s4+$0x0], $0xffff;
	[tilespmem:s22+$0xECE0] =	vst v5  }
0x134: {  	v11 =	vmax.f32 v11, v12;
	v12 =	vmul.f32 $2.000000030e-01, v3;
	v6 =	vld.idx.msk [tilespmem:v6+s4+$0x0], $0xffff  }
0x135: {  	v5 =	vmul.f32 $1.442695020e+00, v11;
	v7 =	vld.idx.msk [tilespmem:v7+s4+$0x0], $0xffff  }
0x136: {  	v3 =	vmax.f32 v3, v12  }
0x137: {  	(erf) = vpow2.f32 v5;
	v3 =	vmul.f32 $1.442695020e+00, v3  }
0x138: {  	v4 =	vadd.f32 v4, v9  }
0x139: {  	v11 =	vld [tilespmem:s25+$0x9E50];
	(erf) = vpow2.f32 v3  }
0x13a: {  	s26 =	simm.s32 $0x500;
	v9 =	vmul.f32 $2.000000030e-01, v4;
	v3 =	vld [tilespmem:s25+$0x5030];
	v6 =	vadd.f32 v7, v6  }
0x13b: {  	v14 =	vld [tilespmem:s26+$0x9E20]  }
0x13c: {  	v12 =	vld [tilespmem:s23+$0x9EB0];
	v4 =	vmax.f32 v4, v9;
	v13 =	vmul.f32 $2.000000030e-01, v6  }
0x13d: {  	v5 =	vld [tilespmem:s23+$0x5090];
	v4 =	vmul.f32 $1.442695020e+00, v4  }
0x13e: {  	v8 =	vld [tilespmem:s22+$0x9EE0];
	v11 =	vadd.s32 $0x2800, v11  }
0x13f: {  	(erf) = vpow2.f32 v4;
	v4 =	vld [tilespmem:s26+$0x5000];
	v6 =	vmax.f32 v6, v13  }
0x140: {  	v7 =	vld [tilespmem:s24+$0x9E80];
	v6 =	vmul.f32 $1.442695020e+00, v6;
	v13 =	vpop (erf)  }
0x141: {  	v12 =	vadd.s32 $0x2800, v12;
	[tilespmem:s25+$0xEC60] =	vst v13;
	v13 =	vld [tilespmem:s24+$0x5060]  }
0x142: {  	v3 =	vld.idx.msk [tilespmem:v3+s4+$0x0], $0xffff;
	v16 =	vpop (erf);
	(erf) = vpow2.f32 v6  }
0x143: {  	v6 =	vadd.s32 $0x2800, v14;
	v11 =	vld.idx.msk [tilespmem:v11+s4+$0x0], $0xffff  }
0x144: {  	v14 =	vld [tilespmem:s22+$0x50C0];
	[tilespmem:s23+$0xECC0] =	vst v16  }
0x145: {  	v7 =	vadd.s32 $0x2800, v7;
	v5 =	vld.idx.msk [tilespmem:v5+s4+$0x0], $0xffff  }
0x146: {  	v12 =	vld.idx.msk [tilespmem:v12+s4+$0x0], $0xffff  }
0x147: {  	v4 =	vld.idx.msk [tilespmem:v4+s4+$0x0], $0xffff  }
0x148: {  	v16 =	vpop (erf);
	v6 =	vld.idx.msk [tilespmem:v6+s4+$0x0], $0xffff  }
0x149: {  	v8 =	vadd.s32 $0x2800, v8;
	[tilespmem:s24+$0xEC90] =	vst v16;
	v3 =	vadd.f32 v11, v3  }
0x14a: {  	v7 =	vld.idx.msk [tilespmem:v7+s4+$0x0], $0xffff  }
0x14b: {  	v11 =	vld.idx.msk [tilespmem:v13+s4+$0x0], $0xffff;
	v13 =	vmul.f32 $2.000000030e-01, v3;
	v5 =	vadd.f32 v12, v5;
	v16 =	vpop (erf)  }
0x14c: {  	[tilespmem:s22+$0xECF0] =	vst v16  }
0x14d: {  	v3 =	vmax.f32 v3, v13;
	v13 =	vmul.f32 $2.000000030e-01, v5;
	v4 =	vadd.f32 v6, v4;
	v6 =	vld.idx.msk [tilespmem:v14+s4+$0x0], $0xffff  }
0x14e: {  	v3 =	vmul.f32 $1.442695020e+00, v3;
	v8 =	vld.idx.msk [tilespmem:v8+s4+$0x0], $0xffff  }
0x14f: {  	v5 =	vmax.f32 v5, v13;
	v13 =	vmul.f32 $2.000000030e-01, v4  }
0x150: {  	(erf) = vpow2.f32 v3;
	v3 =	vadd.f32 v7, v11  }
0x151: {  	v5 =	vmul.f32 $1.442695020e+00, v5;
	v4 =	vmax.f32 v4, v13  }
0x152: {  	v15 =	vld [tilespmem:s25+$0x9E60];
	v7 =	vmul.f32 $2.000000030e-01, v3;
	v4 =	vmul.f32 $1.442695020e+00, v4  }
0x153: {  	v9 =	vld [tilespmem:s25+$0x5040];
	(erf) = vpow2.f32 v5;
	v5 =	vadd.f32 v8, v6  }
0x154: {  	v3 =	vmax.f32 v3, v7;
	(erf) = vpow2.f32 v4  }
0x155: {  	v3 =	vmul.f32 $1.442695020e+00, v3;
	v6 =	vmul.f32 $2.000000030e-01, v5  }
0x156: {  	v7 =	vld [tilespmem:s26+$0x9E30]  }
0x157: {  	v8 =	vadd.s32 $0x2800, v15;
	v4 =	vld [tilespmem:s24+$0x9E90];
	(erf) = vpow2.f32 v3  }
0x158: {  	v3 =	vld [tilespmem:s26+$0x5010]  }
0x159: {  	v5 =	vmax.f32 v5, v6;
	v6 =	vpop (erf)  }
0x15a: {  	v5 =	vmul.f32 $1.442695020e+00, v5;
	[tilespmem:s25+$0xEC70] =	vst v6;
	v6 =	vld [tilespmem:s24+$0x5070]  }
0x15b: {  	v9 =	vld.idx.msk [tilespmem:v9+s4+$0x0], $0xffff  }
0x15c: {  	(erf) = vpow2.f32 v5;
	v5 =	vadd.s32 $0x2800, v7;
	v7 =	vld.idx.msk [tilespmem:v8+s4+$0x0], $0xffff;
	v8 =	vpop (erf)  }
0x15d: {  	s20 =	simm.s32 $0x5190;
	s29 =	simm.s32 $0xEDD0;
	v10 =	vld [tilespmem:s22+$0x9EF0];
	v4 =	vadd.s32 $0x2800, v4;
	[tilespmem:s23+$0xECD0] =	vst v8  }
0x15e: {  	v12 =	vld [tilespmem:s22+$0x50D0];
	v8 =	vpop (erf);
	[spmem:s3] =	stream.indirect.scatter.add.f32 [tilespmem:s29], [sflag:$0x1], $0x1, s20, s18, $0x2000b8  }
0x15f: {  	[tilespmem:s26+$0xEC40] =	vst v8;
	v8 =	vld [tilespmem:s23+$0x9EC0]  }
0x160: {  	v3 =	vld.idx.msk [tilespmem:v3+s4+$0x0], $0xffff;
	v11 =	vpop (erf)  }
0x161: {  	v5 =	vld.idx.msk [tilespmem:v5+s4+$0x0], $0xffff;
	[tilespmem:s24+$0xECA0] =	vst v11;
	v7 =	vadd.f32 v7, v9  }
0x162: {  	v4 =	vld.idx.msk [tilespmem:v4+s4+$0x0], $0xffff  }
0x163: {  	v9 =	vadd.s32 $0x2800, v10;
	v6 =	vld.idx.msk [tilespmem:v6+s4+$0x0], $0xffff;
	v10 =	vmul.f32 $2.000000030e-01, v7  }
0x164: {  	v11 =	vld [tilespmem:s23+$0x50A0]  }
0x165: {  	v13 =	vpop (erf);
	v7 =	vmax.f32 v7, v10  }
0x166: {  	[tilespmem:s22+$0xED00] =	vst v13;
	v3 =	vadd.f32 v5, v3;
	v5 =	vmul.f32 $1.442695020e+00, v7;
	v7 =	vadd.s32 $0x2800, v8  }
0x167: {  	v8 =	vld.idx.msk [tilespmem:v12+s4+$0x0], $0xffff  }
0x168: {  	v9 =	vld.idx.msk [tilespmem:v9+s4+$0x0], $0xffff;
	v4 =	vadd.f32 v4, v6  }
0x169: {  	v10 =	vmul.f32 $2.000000030e-01, v3  }
0x16a: {  	(erf) = vpow2.f32 v5;
	v5 =	vmul.f32 $2.000000030e-01, v4  }
0x16b: {  	v3 =	vmax.f32 v3, v10;
	v6 =	vld.idx.msk [tilespmem:v7+s4+$0x0], $0xffff  }
0x16c: {  	v3 =	vmul.f32 $1.442695020e+00, v3;
	v4 =	vmax.f32 v4, v5;
	v5 =	vld.idx.msk [tilespmem:v11+s4+$0x0], $0xffff  }
0x16d: {  	v7 =	vadd.f32 v9, v8  }
0x16e: {  	(erf) = vpow2.f32 v3  }
0x16f: {  	v3 =	vmul.f32 $1.442695020e+00, v4;
	v4 =	vmul.f32 $2.000000030e-01, v7  }
0x170: {  	v8 =	vld [tilespmem:s26+$0x9E40]  }
0x171: {  	v9 =	vld [tilespmem:s26+$0x5020];
	(erf) = vpow2.f32 v3;
	v5 =	vadd.f32 v6, v5  }
0x172: {  	v2 =	vld [tilespmem:s22+$0x9F00];
	v3 =	vmax.f32 v7, v4  }
0x173: {  	v7 =	vld [tilespmem:s24+$0x9EA0];
	v3 =	vmul.f32 $1.442695020e+00, v3;
	v4 =	vpop (erf);
	v10 =	vmul.f32 $2.000000030e-01, v5  }
0x174: {  	s2 =	simm.s32 $0x53C0;
	s5 =	simm.s32 $0xF000;
	[tilespmem:s25+$0xEC80] =	vst v4;
	v4 =	vld [tilespmem:s24+$0x5080]  }
0x175: {  	v1 =	vld [tilespmem:s22+$0x50E0];
	v8 =	vadd.s32 $0x2800, v8;
	(erf) = vpow2.f32 v3;
	[spmem:s3] =	stream.indirect.scatter.add.f32 [tilespmem:s5], [sflag:$0x1], $0x1, s2, s18, $0x2000b8  }
0x176: {  	v11 =	vld [tilespmem:s25+$0x9E70]  }
0x177: {  	v12 =	vld [tilespmem:s25+$0x5050];
	v5 =	vmax.f32 v5, v10;
	v10 =	vpop (erf)  }
0x178: {  	v6 =	vld [tilespmem:s23+$0x9ED0];
	v7 =	vadd.s32 $0x2800, v7;
	v5 =	vmul.f32 $1.442695020e+00, v5;
	[tilespmem:s26+$0xEC50] =	vst v10  }
0x179: {  	v9 =	vld.idx.msk [tilespmem:v9+s4+$0x0], $0xffff  }
0x17a: {  	v10 =	vpop (erf);
	(erf) = vpow2.f32 v5;
	v5 =	vld.idx.msk [tilespmem:v8+s4+$0x0], $0xffff  }
0x17b: {  	v2 =	vadd.s32 $0x2800, v2;
	[tilespmem:s24+$0xECB0] =	vst v10;
	v10 =	vld [tilespmem:s23+$0x50B0]  }
0x17c: {  	v8 =	vadd.s32 $0x2800, v11;
	v4 =	vld.idx.msk [tilespmem:v4+s4+$0x0], $0xffff  }
0x17d: {  	v7 =	vld.idx.msk [tilespmem:v7+s4+$0x0], $0xffff  }
0x17e: {  	v11 =	vpop (erf)  }
0x17f: {  	v12 =	vld.idx.msk [tilespmem:v12+s4+$0x0], $0xffff;
	[tilespmem:s22+$0xED10] =	vst v11  }
0x180: {  	v11 =	vld.idx.msk [tilespmem:v2+s4+$0x0], $0xffff;
	v5 =	vadd.f32 v5, v9  }
0x181: {  	v6 =	vadd.s32 $0x2800, v6;
	v8 =	vld.idx.msk [tilespmem:v8+s4+$0x0], $0xffff  }
0x182: {  	v9 =	vld.idx.msk [tilespmem:v1+s4+$0x0], $0xffff;
	v4 =	vadd.f32 v7, v4;
	v14 =	vmul.f32 $2.000000030e-01, v5  }
0x183: {  	v15 =	vld [tilespmem:s24+$0x5090];
	v7 =	vpop (erf)  }
0x184: {  	v17 =	vld [tilespmem:s23+$0x50C0];
	v5 =	vmax.f32 v5, v14;
	v14 =	vmul.f32 $2.000000030e-01, v4;
	[tilespmem:s23+$0xECE0] =	vst v7  }
0x185: {  	v5 =	vmul.f32 $1.442695020e+00, v5;
	v7 =	vld.idx.msk [tilespmem:v10+s4+$0x0], $0xffff  }
0x186: {  	v8 =	vadd.f32 v8, v12;
	v6 =	vld.idx.msk [tilespmem:v6+s4+$0x0], $0xffff;
	v4 =	vmax.f32 v4, v14  }
0x187: {  	v13 =	vld [tilespmem:s23+$0x9EE0];
	(erf) = vpow2.f32 v5;
	v4 =	vmul.f32 $1.442695020e+00, v4;
	v5 =	vadd.f32 v11, v9  }
0x188: {  	v3 =	vld [tilespmem:s23+$0x9EF0];
	v10 =	vmul.f32 $2.000000030e-01, v8  }
0x189: {  	v11 =	vld [tilespmem:s26+$0x9E50];
	(erf) = vpow2.f32 v4;
	v4 =	vmul.f32 $2.000000030e-01, v5  }
0x18a: {  	v12 =	vld [tilespmem:s26+$0x5030];
	v8 =	vmax.f32 v8, v10  }
0x18b: {  	s28 =	simm.s32 $0x640;
	v9 =	vld [tilespmem:s24+$0x9EB0];
	v8 =	vmul.f32 $1.442695020e+00, v8;
	v6 =	vadd.f32 v6, v7;
	v4 =	vmax.f32 v5, v4  }
0x18c: {  	v7 =	vld [tilespmem:s28+$0x9E20];
	v4 =	vmul.f32 $1.442695020e+00, v4  }
0x18d: {  	v5 =	vld [tilespmem:s25+$0x9E80];
	(erf) = vpow2.f32 v8;
	v14 =	vmul.f32 $2.000000030e-01, v6  }
0x18e: {  	v8 =	vadd.s32 $0x2800, v11;
	v11 =	vld [tilespmem:s28+$0x5000]  }
0x18f: {  	v2 =	vld [tilespmem:s23+$0x50E0];
	(erf) = vpow2.f32 v4;
	v6 =	vmax.f32 v6, v14  }
0x190: {  	v1 =	vld [tilespmem:s23+$0x9F00];
	v9 =	vadd.s32 $0x2800, v9;
	v6 =	vmul.f32 $1.442695020e+00, v6;
	v16 =	vpop (erf)  }
0x191: {  	v14 =	vld [tilespmem:s25+$0x5060];
	[tilespmem:s26+$0xEC60] =	vst v16  }
0x192: {  	v7 =	vadd.s32 $0x2800, v7;
	v12 =	vld.idx.msk [tilespmem:v12+s4+$0x0], $0xffff;
	v16 =	vpop (erf);
	(erf) = vpow2.f32 v6  }
0x193: {  	v5 =	vadd.s32 $0x2800, v5;
	v8 =	vld.idx.msk [tilespmem:v8+s4+$0x0], $0xffff;
	[tilespmem:s24+$0xECC0] =	vst v16  }
0x194: {  	v6 =	vld.idx.msk [tilespmem:v15+s4+$0x0], $0xffff  }
0x195: {  	v9 =	vld.idx.msk [tilespmem:v9+s4+$0x0], $0xffff  }
0x196: {  	v11 =	vld.idx.msk [tilespmem:v11+s4+$0x0], $0xffff;
	v15 =	vpop (erf)  }
0x197: {  	v7 =	vld.idx.msk [tilespmem:v7+s4+$0x0], $0xffff;
	[tilespmem:s25+$0xEC90] =	vst v15  }
0x198: {  	v15 =	vpop (erf);
	v5 =	vld.idx.msk [tilespmem:v5+s4+$0x0], $0xffff;
	v8 =	vadd.f32 v8, v12  }
0x199: {  	s6 =	simm.s32 $0x50A0;
	s11 =	simm.s32 $0xECE0;
	v13 =	vadd.s32 $0x2800, v13;
	v12 =	vld.idx.msk [tilespmem:v14+s4+$0x0], $0xffff;
	[tilespmem:s22+$0xED20] =	vst v15  }
0x19a: {  	v10 =	vld [tilespmem:s26+$0x5040];
	[spmem:s3] =	stream.indirect.scatter.add.f32 [tilespmem:s11], [sflag:$0x1], $0x1, s6, s18, $0x2000b8;
	v15 =	vmul.f32 $2.000000030e-01, v8;
	v6 =	vadd.f32 v9, v6  }
0x19b: {  	v9 =	vld [tilespmem:s22+$0x50F0];
	v18 =	vpop (erf)  }
0x19c: {  	v7 =	vadd.f32 v7, v11;
	v14 =	vld [tilespmem:s22+$0x9F10];
	v8 =	vmax.f32 v8, v15;
	v15 =	vmul.f32 $2.000000030e-01, v6;
	[tilespmem:s23+$0xECF0] =	vst v18  }
0x19d: {  	v8 =	vmul.f32 $1.442695020e+00, v8;
	v11 =	vld.idx.msk [tilespmem:v17+s4+$0x0], $0xffff  }
0x19e: {  	v5 =	vadd.f32 v5, v12;
	v6 =	vmax.f32 v6, v15;
	v15 =	vmul.f32 $2.000000030e-01, v7;
	v12 =	vld.idx.msk [tilespmem:v13+s4+$0x0], $0xffff  }
0x19f: {  	v4 =	vld [tilespmem:s26+$0x9E60];
	(erf) = vpow2.f32 v8;
	v6 =	vmul.f32 $1.442695020e+00, v6  }
0x1a0: {  	v16 =	vld [tilespmem:s23+$0x50D0];
	v13 =	vmul.f32 $2.000000030e-01, v5;
	v7 =	vmax.f32 v7, v15  }
0x1a1: {  	v8 =	vadd.s32 $0x2800, v14;
	v14 =	vld [tilespmem:s22+$0x9F20];
	v7 =	vmul.f32 $1.442695020e+00, v7;
	(erf) = vpow2.f32 v6  }
0x1a2: {  	v15 =	vld [tilespmem:s22+$0x9F30];
	v5 =	vmax.f32 v5, v13  }
0x1a3: {  	v5 =	vmul.f32 $1.442695020e+00, v5;
	v6 =	vld.idx.msk [tilespmem:v9+s4+$0x0], $0xffff;
	(erf) = vpow2.f32 v7;
	v9 =	vadd.f32 v12, v11  }
0x1a4: {  	v11 =	vld [tilespmem:s28+$0x9E30]  }
0x1a5: {  	v12 =	vld [tilespmem:s28+$0x5010];
	(erf) = vpow2.f32 v5;
	v5 =	vmul.f32 $2.000000030e-01, v9  }
0x1a6: {  	v4 =	vadd.s32 $0x2800, v4;
	v8 =	vld.idx.msk [tilespmem:v8+s4+$0x0], $0xffff  }
0x1a7: {  	v7 =	vld [tilespmem:s25+$0x9E90];
	v5 =	vmax.f32 v9, v5  }
0x1a8: {  	v13 =	vld [tilespmem:s22+$0x5100];
	v9 =	vpop (erf);
	v5 =	vmul.f32 $1.442695020e+00, v5  }
0x1a9: {  	[tilespmem:s26+$0xEC70] =	vst v9;
	v9 =	vld [tilespmem:s25+$0x5070]  }
0x1aa: {  	v11 =	vadd.s32 $0x2800, v11;
	v10 =	vld.idx.msk [tilespmem:v10+s4+$0x0], $0xffff;
	v17 =	vpop (erf);
	(erf) = vpow2.f32 v5  }
0x1ab: {  	s12 =	simm.s32 $0x52D0;
	s15 =	simm.s32 $0xEF10;
	v6 =	vadd.f32 v8, v6;
	v4 =	vld.idx.msk [tilespmem:v4+s4+$0x0], $0xffff;
	[tilespmem:s24+$0xECD0] =	vst v17  }
0x1ac: {  	v5 =	vadd.s32 $0x2800, v7;
	v17 =	vld [tilespmem:s22+$0x5110];
	v7 =	vpop (erf);
	[spmem:s3] =	stream.indirect.scatter.add.f32 [tilespmem:s15], [sflag:$0x1], $0x1, s12, s18, $0x2000b8  }
0x1ad: {  	v8 =	vmul.f32 $2.000000030e-01, v6;
	[tilespmem:s28+$0xEC40] =	vst v7;
	v18 =	vld [tilespmem:s24+$0x9EC0]  }
0x1ae: {  	v12 =	vld.idx.msk [tilespmem:v12+s4+$0x0], $0xffff  }
0x1af: {  	v7 =	vpop (erf);
	v6 =	vmax.f32 v6, v8;
	v8 =	vld.idx.msk [tilespmem:v11+s4+$0x0], $0xffff  }
0x1b0: {  	[tilespmem:s25+$0xECA0] =	vst v7;
	v11 =	vld [tilespmem:s24+$0x50A0];
	v6 =	vmul.f32 $1.442695020e+00, v6;
	v4 =	vadd.f32 v4, v10  }
0x1b1: {  	v3 =	vadd.s32 $0x2800, v3;
	v5 =	vld.idx.msk [tilespmem:v5+s4+$0x0], $0xffff  }
0x1b2: {  	v9 =	vld.idx.msk [tilespmem:v9+s4+$0x0], $0xffff;
	(erf) = vpow2.f32 v6;
	v10 =	vmul.f32 $2.000000030e-01, v4  }
0x1b3: {  	v7 =	vld [tilespmem:s22+$0x9F40];
	v19 =	vpop (erf)  }
0x1b4: {  	v6 =	vld [tilespmem:s22+$0x5120];
	v4 =	vmax.f32 v4, v10;
	[tilespmem:s23+$0xED00] =	vst v19  }
0x1b5: {  	v18 =	vadd.s32 $0x2800, v18;
	v12 =	vadd.f32 v8, v12;
	v4 =	vmul.f32 $1.442695020e+00, v4;
	v16 =	vld.idx.msk [tilespmem:v16+s4+$0x0], $0xffff  }
0x1b6: {  	v19 =	vld.idx.msk [tilespmem:v3+s4+$0x0], $0xffff  }
0x1b7: {  	v10 =	vld [tilespmem:s24+$0x9ED0];
	v3 =	vmul.f32 $2.000000030e-01, v12;
	(erf) = vpow2.f32 v4;
	v4 =	vadd.f32 v5, v9  }
0x1b8: {  	v8 =	vld [tilespmem:s24+$0x9EE0]  }
0x1b9: {  	v5 =	vadd.s32 $0x2800, v14;
	v11 =	vld.idx.msk [tilespmem:v11+s4+$0x0], $0xffff;
	v3 =	vmax.f32 v12, v3;
	v12 =	vmul.f32 $2.000000030e-01, v4  }
0x1ba: {  	v9 =	vld.idx.msk [tilespmem:v18+s4+$0x0], $0xffff;
	v14 =	vmul.f32 $1.442695020e+00, v3  }
0x1bb: {  	v3 =	vld [tilespmem:s24+$0x9EF0];
	v18 =	vpop (erf);
	v4 =	vmax.f32 v4, v12;
	v12 =	vadd.f32 v19, v16  }
0x1bc: {  	(erf) = vpow2.f32 v14;
	v16 =	vld [tilespmem:s28+$0x9E40];
	[tilespmem:s22+$0xED30] =	vst v18  }
0x1bd: {  	v4 =	vmul.f32 $1.442695020e+00, v4;
	v13 =	vld.idx.msk [tilespmem:v13+s4+$0x0], $0xffff;
	v14 =	vmul.f32 $2.000000030e-01, v12  }
0x1be: {  	v5 =	vld.idx.msk [tilespmem:v5+s4+$0x0], $0xffff  }
0x1bf: {  	v18 =	vld [tilespmem:s28+$0x5020];
	v9 =	vadd.f32 v9, v11;
	(erf) = vpow2.f32 v4;
	v4 =	vmax.f32 v12, v14  }
0x1c0: {  	v14 =	vld [tilespmem:s25+$0x9EA0];
	v12 =	vpop (erf);
	v11 =	vmul.f32 $1.442695020e+00, v4  }
0x1c1: {  	s20 =	simm.s32 $0x5500;
	s29 =	simm.s32 $0xF140;
	v19 =	vmul.f32 $2.000000030e-01, v9;
	v4 =	vld [tilespmem:s22+$0x9F50];
	[tilespmem:s26+$0xEC80] =	vst v12  }
0x1c2: {  	v12 =	vld [tilespmem:s25+$0x5080];
	[spmem:s3] =	stream.indirect.scatter.add.f32 [tilespmem:s29], [sflag:$0x1], $0x1, s20, s18, $0x2000b8;
	(erf) = vpow2.f32 v11  }
0x1c3: {  	v11 =	vadd.s32 $0x2800, v16;
	v13 =	vadd.f32 v5, v13;
	v5 =	vmax.f32 v9, v19;
	v16 =	vld [tilespmem:s26+$0x9E70]  }
0x1c4: {  	v20 =	vld [tilespmem:s26+$0x5050];
	v19 =	vmul.f32 $1.442695020e+00, v5  }
0x1c5: {  	v5 =	vld [tilespmem:s22+$0x5130];
	v9 =	vpop (erf);
	v21 =	vmul.f32 $2.000000030e-01, v13  }
0x1c6: {  	v14 =	vadd.s32 $0x2800, v14;
	[tilespmem:s28+$0xEC50] =	vst v9;
	v9 =	vld [tilespmem:s24+$0x50B0];
	(erf) = vpow2.f32 v19  }
0x1c7: {  	v19 =	vadd.s32 $0x2800, v1;
	v1 =	vld [tilespmem:s24+$0x9F00];
	v13 =	vmax.f32 v13, v21  }
0x1c8: {  	v18 =	vld.idx.msk [tilespmem:v18+s4+$0x0], $0xffff;
	v22 =	vpop (erf);
	v13 =	vmul.f32 $1.442695020e+00, v13;
	v16 =	vadd.s32 $0x2800, v16  }
0x1c9: {  	v11 =	vld.idx.msk [tilespmem:v11+s4+$0x0], $0xffff;
	[tilespmem:s25+$0xECB0] =	vst v22  }
0x1ca: {  	v12 =	vld.idx.msk [tilespmem:v12+s4+$0x0], $0xffff  }
0x1cb: {  	v14 =	vld.idx.msk [tilespmem:v14+s4+$0x0], $0xffff;
	(erf) = vpow2.f32 v13  }
0x1cc: {  	v13 =	vpop (erf);
	v20 =	vld.idx.msk [tilespmem:v20+s4+$0x0], $0xffff  }
0x1cd: {  	[tilespmem:s23+$0xED10] =	vst v13;
	v13 =	vld.idx.msk [tilespmem:v16+s4+$0x0], $0xffff  }
0x1ce: {  	v10 =	vadd.s32 $0x2800, v10;
	v11 =	vadd.f32 v11, v18;
	v16 =	vld.idx.msk [tilespmem:v2+s4+$0x0], $0xffff  }
0x1cf: {  	v19 =	vld.idx.msk [tilespmem:v19+s4+$0x0], $0xffff;
	v18 =	vpop (erf)  }
0x1d0: {  	v2 =	vld [tilespmem:s24+$0x50E0];
	v14 =	vadd.f32 v14, v12;
	[tilespmem:s24+$0xECE0] =	vst v18;
	v18 =	vmul.f32 $2.000000030e-01, v11  }
0x1d1: {  	v12 =	vld [tilespmem:s25+$0x5090]  }
0x1d2: {  	v15 =	vadd.s32 $0x2800, v15;
	v62 =	vld.idx.msk [tilespmem:v9+s4+$0x0], $0xffff;
	v9 =	vmul.f32 $2.000000030e-01, v14;
	v18 =	vmax.f32 v11, v18  }
0x1d3: {  	v10 =	vld.idx.msk [tilespmem:v10+s4+$0x0], $0xffff;
	v20 =	vadd.f32 v13, v20;
	v13 =	vmul.f32 $1.442695020e+00, v18  }
0x1d4: {  	v11 =	vld [tilespmem:s25+$0x9EB0];
	v63 =	vpop (erf);
	v9 =	vmax.f32 v14, v9  }
0x1d5: {  	v19 =	vadd.f32 v19, v16;
	v16 =	vld [tilespmem:s28+$0x9E50];
	[tilespmem:s22+$0xED40] =	vst v63;
	v9 =	vmul.f32 $1.442695020e+00, v9;
	(erf) = vpow2.f32 v13  }
0x1d6: {  	v14 =	vld.idx.msk [tilespmem:v17+s4+$0x0], $0xffff;
	v17 =	vmul.f32 $2.000000030e-01, v20  }
0x1d7: {  	v15 =	vld.idx.msk [tilespmem:v15+s4+$0x0], $0xffff;
	v18 =	vmul.f32 $2.000000030e-01, v19;
	(erf) = vpow2.f32 v9  }
0x1d8: {  	s30 =	simm.s32 $0x0;
	s31 =	simm.s32 $0x0;
	v13 =	vld [tilespmem:s28+$0x5030];
	v17 =	vmax.f32 v20, v17  }
0x1d9: {  	s0 =	simm.s32 $0x0;
	s1 =	simm.s32 $0x0;
	s11 =	simm.s32 $0x0;
	v9 =	vld [tilespmem:s28+$0x5040];
	v19 =	vmax.f32 v19, v18;
	v18 =	vmul.f32 $1.442695020e+00, v17;
	v17 =	vadd.f32 v10, v62  }
0x1da: {  	s15 =	simm.s32 $0x14;
	s12 =	simm.s32 $0x0;
	s20 =	simm.s32 $0x1E00;
	v10 =	vld [tilespmem:s28+$0x9E60];
	v19 =	vmul.f32 $1.442695020e+00, v19  }
.LBB2_2:
0x1db: {  	s2 =	sshra.s32 s20, $0x2;
	s15 =	sadd.s32 $0x4, s15;
	v20 =	vld [tilespmem:s26+$0x9E80];
	v21 =	vmul.f32 $2.000000030e-01, v17  }
0x1dc: {  	v14 =	vadd.f32 v15, v14;
	v22 =	vld [tilespmem:s2+$0x9E20];
	p0 =	slt.u32 s15, $0xF4;
	v16 =	vadd.s32 $0x2800, v16;
	(erf) = vpow2.f32 v18  }
0x1dd: {  	v15 =	vld [tilespmem:s2+$0x5000];
	v17 =	vmax.f32 v17, v21;
	(erf) = vpow2.f32 v19  }
0x1de: {  	v11 =	vadd.s32 $0x2800, v11;
	v21 =	vmul.f32 $2.000000030e-01, v14;
	v18 =	vpop (erf);
	v17 =	vmul.f32 $1.442695020e+00, v17;
	v19 =	vld [tilespmem:s24+$0x50C0]  }
0x1df: {  	[tilespmem:s28+$0xEC60] =	vst v18;
	v18 =	vld [tilespmem:s26+$0x5060]  }
0x1e0: {  	v14 =	vmax.f32 v14, v21;
	v13 =	vld.idx.msk [tilespmem:v13+s30+$0x0], $0xffff;
	v23 =	vpop (erf);
	(erf) = vpow2.f32 v17  }
0x1e1: {  	v14 =	vmul.f32 $1.442695020e+00, v14;
	v17 =	vadd.s32 $0x2800, v22;
	v16 =	vld.idx.msk [tilespmem:v16+s30+$0x0], $0xffff;
	[tilespmem:s25+$0xECC0] =	vst v23  }
0x1e2: {  	v20 =	vadd.s32 $0x2800, v20;
	v21 =	vld.idx.msk [tilespmem:v12+s0+$0x0], $0xffff  }
0x1e3: {  	v11 =	vld.idx.msk [tilespmem:v11+s0+$0x0], $0xffff;
	(erf) = vpow2.f32 v14  }
0x1e4: {  	s29 =	simm.s32 $0x0;
	v12 =	vld [tilespmem:s24+$0x50D0]  }
0x1e5: {  	v14 =	vld.idx.msk [tilespmem:v15+s29+$0x0], $0xffff;
	v15 =	vpop (erf)  }
0x1e6: {  	v17 =	vld.idx.msk [tilespmem:v17+s29+$0x0], $0xffff;
	[tilespmem:s26+$0xEC90] =	vst v15;
	v15 =	vpop (erf)  }
0x1e7: {  	v8 =	vadd.s32 $0x2800, v8;
	s5 =	sadd.s32 $0x50A0, s23;
	s6 =	sadd.s32 $0xECE0, s23;
	v13 =	vadd.f32 v16, v13;
	v16 =	vld.idx.msk [tilespmem:v20+s31+$0x0], $0xffff;
	[tilespmem:s23+$0xED20] =	vst v15  }
0x1e8: {  	v15 =	vld.idx.msk [tilespmem:v18+s31+$0x0], $0xffff;
	[spmem:s3] =	stream.indirect.scatter.add.f32 [tilespmem:s6], [sflag:$0x1], $0x1, s5, s18, $0x2000b8  }
0x1e9: {  	v18 =	vmul.f32 $2.000000030e-01, v13;
	v11 =	vadd.f32 v11, v21;
	v20 =	vpop (erf);
	v21 =	vld [tilespmem:s23+$0x9F10]  }
0x1ea: {  	v7 =	vadd.s32 $0x2800, v7;
	[tilespmem:s24+$0xECF0] =	vst v20;
	v20 =	vld [tilespmem:s23+$0x50F0]  }
0x1eb: {  	v13 =	vmax.f32 v13, v18;
	v18 =	vmul.f32 $2.000000030e-01, v11;
	v19 =	vld.idx.msk [tilespmem:v19+s1+$0x0], $0xffff  }
0x1ec: {  	v14 =	vadd.f32 v17, v14;
	v13 =	vmul.f32 $1.442695020e+00, v13;
	v8 =	vld.idx.msk [tilespmem:v8+s1+$0x0], $0xffff;
	v17 =	vpop (erf)  }
0x1ed: {  	v11 =	vmax.f32 v11, v18;
	v18 =	vld [tilespmem:s23+$0x9F20];
	[tilespmem:s22+$0xED50] =	vst v17  }
0x1ee: {  	v17 =	vmul.f32 $2.000000030e-01, v14;
	(erf) = vpow2.f32 v13;
	v13 =	vadd.f32 v16, v15;
	v6 =	vld.idx.msk [tilespmem:v6+s12+$0x0], $0xffff  }
0x1ef: {  	v11 =	vmul.f32 $1.442695020e+00, v11;
	v15 =	vadd.s32 $0x2800, v21;
	v7 =	vld.idx.msk [tilespmem:v7+s12+$0x0], $0xffff  }
0x1f0: {  	v14 =	vmax.f32 v14, v17;
	v16 =	vmul.f32 $2.000000030e-01, v13;
	v17 =	vld [tilespmem:s23+$0x5100]  }
0x1f1: {  	v14 =	vmul.f32 $1.442695020e+00, v14;
	(erf) = vpow2.f32 v11;
	v11 =	vld [tilespmem:s23+$0x9F30]  }
0x1f2: {  	v8 =	vadd.f32 v8, v19;
	v13 =	vmax.f32 v13, v16;
	v16 =	vld.idx.msk [tilespmem:v20+s11+$0x0], $0xffff  }
0x1f3: {  	(erf) = vpow2.f32 v14;
	v13 =	vmul.f32 $1.442695020e+00, v13;
	v14 =	vld [tilespmem:s26+$0x9E90]  }
0x1f4: {  	v19 =	vmul.f32 $2.000000030e-01, v8;
	v15 =	vld.idx.msk [tilespmem:v15+s11+$0x0], $0xffff  }
0x1f5: {  	v21 =	vadd.s32 $0x2800, v10;
	v6 =	vadd.f32 v7, v6;
	v20 =	vld [tilespmem:s2+$0x9E30];
	(erf) = vpow2.f32 v13  }
0x1f6: {  	v7 =	vmax.f32 v8, v19;
	v13 =	vld [tilespmem:s2+$0x5010]  }
0x1f7: {  	v22 =	vmul.f32 $1.442695020e+00, v7;
	v19 =	vmul.f32 $2.000000030e-01, v6;
	v8 =	vpop (erf);
	v10 =	vld [tilespmem:s23+$0x5110]  }
0x1f8: {  	[tilespmem:s28+$0xEC70] =	vst v8;
	v8 =	vld [tilespmem:s26+$0x5070]  }
0x1f9: {  	v6 =	vmax.f32 v6, v19;
	v9 =	vld.idx.msk [tilespmem:v9+s30+$0x0], $0xffff;
	(erf) = vpow2.f32 v22  }
0x1fa: {  	v15 =	vadd.f32 v15, v16;
	v16 =	vmul.f32 $1.442695020e+00, v6;
	v19 =	vadd.s32 $0x2800, v20;
	v20 =	vld.idx.msk [tilespmem:v21+s30+$0x0], $0xffff;
	v7 =	vpop (erf)  }
0x1fb: {  	s5 =	sadd.s32 $0x5050, s25;
	s6 =	sadd.s32 $0xEC90, s25;
	v14 =	vadd.s32 $0x2800, v14;
	[tilespmem:s25+$0xECD0] =	vst v7;
	v7 =	vld [tilespmem:s23+$0x9F40]  }
0x1fc: {  	v22 =	vmul.f32 $2.000000030e-01, v15;
	v21 =	vpop (erf);
	[spmem:s3] =	stream.indirect.scatter.add.f32 [tilespmem:s6], [sflag:$0x1], $0x1, s5, s18, $0x2000b8;
	v6 =	vld [tilespmem:s23+$0x5120];
	(erf) = vpow2.f32 v16  }
0x1fd: {  	[tilespmem:s2+$0xEC40] =	vst v21;
	v16 =	vld [tilespmem:s25+$0x9EC0]  }
0x1fe: {  	v15 =	vmax.f32 v15, v22;
	v13 =	vld.idx.msk [tilespmem:v13+s29+$0x0], $0xffff;
	v21 =	vpop (erf)  }
0x1ff: {  	v15 =	vmul.f32 $1.442695020e+00, v15;
	v19 =	vld.idx.msk [tilespmem:v19+s29+$0x0], $0xffff;
	[tilespmem:s26+$0xECA0] =	vst v21  }
0x200: {  	v3 =	vadd.s32 $0x2800, v3;
	v9 =	vadd.f32 v20, v9;
	v14 =	vld.idx.msk [tilespmem:v14+s31+$0x0], $0xffff  }
0x201: {  	v20 =	vld.idx.msk [tilespmem:v8+s31+$0x0], $0xffff;
	(erf) = vpow2.f32 v15  }
0x202: {  	v8 =	vmul.f32 $2.000000030e-01, v9;
	v15 =	vld [tilespmem:s25+$0x50A0];
	v16 =	vadd.s32 $0x2800, v16;
	v21 =	vpop (erf)  }
0x203: {  	v22 =	vld [tilespmem:s25+$0x9ED0];
	[tilespmem:s24+$0xED00] =	vst v21  }
0x204: {  	v4 =	vadd.s32 $0x2800, v4;
	v8 =	vmax.f32 v9, v8;
	v9 =	vld.idx.msk [tilespmem:v12+s1+$0x0], $0xffff  }
0x205: {  	v12 =	vadd.f32 v19, v13;
	v13 =	vmul.f32 $1.442695020e+00, v8;
	v19 =	vld.idx.msk [tilespmem:v3+s1+$0x0], $0xffff;
	v3 =	vpop (erf)  }
0x206: {  	v8 =	vld [tilespmem:s25+$0x9EE0];
	[tilespmem:s22+$0xED60] =	vst v3  }
0x207: {  	v3 =	vmul.f32 $2.000000030e-01, v12;
	(erf) = vpow2.f32 v13;
	v13 =	vadd.f32 v14, v20;
	v14 =	vld.idx.msk [tilespmem:v16+s0+$0x0], $0xffff  }
0x208: {  	v16 =	vadd.s32 $0x2800, v18;
	v5 =	vld.idx.msk [tilespmem:v5+s12+$0x0], $0xffff  }
0x209: {  	v3 =	vmax.f32 v12, v3;
	v12 =	vmul.f32 $2.000000030e-01, v13;
	v4 =	vld.idx.msk [tilespmem:v4+s12+$0x0], $0xffff;
	s12 =	smov.u32 s11;
	s11 =	smov.u32 s1;
	s1 =	smov.u32 s0  }
0x20a: {  	v18 =	vmul.f32 $1.442695020e+00, v3;
	s0 =	smov.u32 s31;
	s31 =	smov.u32 s30;
	s30 =	smov.u32 s29;
	v15 =	vld.idx.msk [tilespmem:v15+s1+$0x0], $0xffff;
	v20 =	vpop (erf)  }
0x20b: {  	v9 =	vadd.f32 v19, v9;
	v12 =	vmax.f32 v13, v12;
	v3 =	vld [tilespmem:s25+$0x9EF0];
	[tilespmem:s23+$0xED30] =	vst v20  }
0x20c: {  	(erf) = vpow2.f32 v18;
	v12 =	vmul.f32 $1.442695020e+00, v12;
	v13 =	vld.idx.msk [tilespmem:v17+s12+$0x0], $0xffff  }
0x20d: {  	v17 =	vmul.f32 $2.000000030e-01, v9;
	v16 =	vld.idx.msk [tilespmem:v16+s12+$0x0], $0xffff  }
0x20e: {  	v18 =	vld [tilespmem:s2+$0x9E40];
	(erf) = vpow2.f32 v12  }
0x20f: {  	v9 =	vmax.f32 v9, v17;
	v5 =	vadd.f32 v4, v5;
	v12 =	vld [tilespmem:s2+$0x5020]  }
0x210: {  	v14 =	vadd.f32 v14, v15;
	v9 =	vmul.f32 $1.442695020e+00, v9;
	v4 =	vpop (erf);
	v17 =	vld [tilespmem:s26+$0x9EA0]  }
0x211: {  	s5 =	sadd.s32 $0x5000, s28;
	s6 =	sadd.s32 $0xEC40, s28;
	v19 =	vmul.f32 $2.000000030e-01, v5;
	[tilespmem:s28+$0xEC80] =	vst v4;
	v15 =	vld [tilespmem:s26+$0x5080]  }
0x212: {  	v21 =	vmul.f32 $2.000000030e-01, v14;
	[spmem:s3] =	stream.indirect.scatter.add.f32 [tilespmem:s6], [sflag:$0x1], $0x1, s5, s18, $0x2000b8;
	(erf) = vpow2.f32 v9;
	v4 =	vld [tilespmem:s23+$0x9F50]  }
0x213: {  	v13 =	vadd.f32 v16, v13;
	v5 =	vmax.f32 v5, v19;
	v9 =	vadd.s32 $0x2800, v18;
	v18 =	vld [tilespmem:s28+$0x9E70]  }
0x214: {  	v14 =	vmax.f32 v14, v21;
	v23 =	vmul.f32 $1.442695020e+00, v5;
	v16 =	vld [tilespmem:s28+$0x5050]  }
0x215: {  	v14 =	vmul.f32 $1.442695020e+00, v14;
	v21 =	vmul.f32 $2.000000030e-01, v13;
	v20 =	vpop (erf);
	v17 =	vadd.s32 $0x2800, v17;
	v5 =	vld [tilespmem:s23+$0x5130]  }
0x216: {  	[tilespmem:s2+$0xEC50] =	vst v20;
	v20 =	vld [tilespmem:s25+$0x50B0];
	(erf) = vpow2.f32 v23  }
0x217: {  	v13 =	vmax.f32 v13, v21;
	v12 =	vld.idx.msk [tilespmem:v12+s30+$0x0], $0xffff;
	v19 =	vpop (erf);
	(erf) = vpow2.f32 v14  }
0x218: {  	v9 =	vld.idx.msk [tilespmem:v9+s30+$0x0], $0xffff;
	v14 =	vadd.s32 $0x2800, v18;
	[tilespmem:s26+$0xECB0] =	vst v19;
	v19 =	vmul.f32 $1.442695020e+00, v13  }
0x219: {  	v15 =	vld.idx.msk [tilespmem:v15+s0+$0x0], $0xffff  }
0x21a: {  	v18 =	vadd.s32 $0x2800, v1;
	v17 =	vld.idx.msk [tilespmem:v17+s0+$0x0], $0xffff;
	(erf) = vpow2.f32 v19  }
0x21b: {  	v1 =	vld [tilespmem:s25+$0x9F00];
	v13 =	vpop (erf)  }
0x21c: {  	v16 =	vld.idx.msk [tilespmem:v16+s31+$0x0], $0xffff;
	[tilespmem:s24+$0xED10] =	vst v13  }
0x21d: {  	v13 =	vld.idx.msk [tilespmem:v14+s31+$0x0], $0xffff  }
0x21e: {  	v9 =	vadd.f32 v9, v12;
	v14 =	vadd.s32 $0x2800, v22;
	v19 =	vld.idx.msk [tilespmem:v2+s11+$0x0], $0xffff  }
0x21f: {  	v18 =	vld.idx.msk [tilespmem:v18+s11+$0x0], $0xffff;
	v12 =	vpop (erf)  }
0x220: {  	s5 =	sadd.s32 $0x50F0, s22;
	s6 =	sadd.s32 $0xED30, s22;
	v21 =	vmul.f32 $2.000000030e-01, v9;
	v15 =	vadd.f32 v17, v15;
	v2 =	vld [tilespmem:s25+$0x50E0];
	v17 =	vpop (erf);
	[tilespmem:s22+$0xED70] =	vst v12;
	s22 =	smov.u32 s23  }
0x221: {  	v12 =	vld [tilespmem:s26+$0x5090];
	[tilespmem:s25+$0xECE0] =	vst v17;
	v17 =	vadd.s32 $0x2800, v11;
	[spmem:s3] =	stream.indirect.scatter.add.f32 [tilespmem:s6], [sflag:$0x1], $0x1, s5, s18, $0x2000b8  }
0x222: {  	s23 =	smov.u32 s24;
	s24 =	smov.u32 s25;
	v9 =	vmax.f32 v9, v21;
	v11 =	vmul.f32 $2.000000030e-01, v15;
	s25 =	smov.u32 s26;
	v20 =	vld.idx.msk [tilespmem:v20+s1+$0x0], $0xffff  }
0x223: {  	s26 =	smov.u32 s28;
	s28 =	smov.u32 s2;
	v9 =	vmul.f32 $1.442695020e+00, v9;
	v21 =	vadd.f32 v13, v16;
	v22 =	vld.idx.msk [tilespmem:v14+s1+$0x0], $0xffff;
	v13 =	vpop (erf)  }
0x224: {  	v14 =	vmax.f32 v15, v11;
	v11 =	vld [tilespmem:s25+$0x9EB0];
	[tilespmem:s22+$0xED40] =	vst v13  }
0x225: {  	v19 =	vadd.f32 v18, v19;
	(erf) = vpow2.f32 v9;
	v9 =	vmul.f32 $1.442695020e+00, v14;
	v14 =	vld.idx.msk [tilespmem:v10+s12+$0x0], $0xffff  }
.Ltmp0:
0x226: {  	v10 =	vmul.f32 $2.000000030e-01, v21;
	v15 =	vld.idx.msk [tilespmem:v17+s12+$0x0], $0xffff;
	(pc) =	sbr.rel @p0 .LBB2_2-.Ltmp0, $4  }
0x227: {  	v23 =	vmul.f32 $2.000000030e-01, v19;
	v16 =	vld [tilespmem:s28+$0x9E50];
	(erf) = vpow2.f32 v9  }
0x228: {  	v10 =	vmax.f32 v21, v10;
	v13 =	vld [tilespmem:s28+$0x5030]  }
0x229: {  	v18 =	vmul.f32 $1.442695020e+00, v10;
	v17 =	vadd.f32 v22, v20;
	v19 =	vmax.f32 v19, v23;
	v9 =	vld [tilespmem:s28+$0x5040]  }
0x22a: {  	s20 =	sadd.s32 $0x500, s20;
	v19 =	vmul.f32 $1.442695020e+00, v19;
	v10 =	vld [tilespmem:s28+$0x9E60]  }
0x22b: {  	_ =	sdelay $0x1  }
0x22c: {  	v20 =	vmul.f32 $2.000000030e-01, v17;
	v16 =	vadd.s32 $0x2800, v16  }
0x22d: {  	(erf) = vpow2.f32 v18;
	v14 =	vadd.f32 v15, v14  }
0x22e: {  	v27 =	vld [tilespmem:s26+$0x9E80];
	(erf) = vpow2.f32 v19;
	v28 =	vmax.f32 v17, v20;
	v29 =	vpop (erf)  }
0x22f: {  	v31 =	vld [tilespmem:s26+$0x5060];
	v30 =	vmul.f32 $2.000000030e-01, v14;
	v15 =	vmul.f32 $1.442695020e+00, v28;
	[tilespmem:s28+$0xEC60] =	vst v29  }
0x230: {  	v13 =	vld.idx.msk [tilespmem:v13+s30+$0x0], $0xffff  }
0x231: {  	v11 =	vadd.s32 $0x2800, v11;
	v14 =	vmax.f32 v14, v30;
	(erf) = vpow2.f32 v15;
	v16 =	vld.idx.msk [tilespmem:v16+s30+$0x0], $0xffff  }
0x232: {  	v14 =	vmul.f32 $1.442695020e+00, v14  }
0x233: {  	v32 =	vpop (erf);
	v34 =	vadd.s32 $0x2800, v27  }
0x234: {  	v33 =	vld [tilespmem:s24+$0x50C0];
	[tilespmem:s25+$0xECC0] =	vst v32;
	(erf) = vpow2.f32 v14  }
0x235: {  	v12 =	vld.idx.msk [tilespmem:v12+s0+$0x0], $0xffff  }
0x236: {  	v11 =	vld.idx.msk [tilespmem:v11+s0+$0x0], $0xffff;
	v35 =	vpop (erf);
	v13 =	vadd.f32 v16, v13  }
0x237: {  	[tilespmem:s26+$0xEC90] =	vst v35;
	v37 =	vpop (erf)  }
0x238: {  	v8 =	vadd.s32 $0x2800, v8;
	s2 =	sadd.s32 $0x50A0, s23;
	s5 =	sadd.s32 $0xECE0, s23;
	v15 =	vld.idx.msk [tilespmem:v34+s31+$0x0], $0xffff;
	[tilespmem:s23+$0xED20] =	vst v37;
	v16 =	vmul.f32 $2.000000030e-01, v13  }
0x239: {  	v38 =	vld.idx.msk [tilespmem:v31+s31+$0x0], $0xffff;
	[spmem:s3] =	stream.indirect.scatter.add.f32 [tilespmem:s5], [sflag:$0x1], $0x1, s2, s18, $0x2000b8  }
0x23a: {  	v40 =	vld [tilespmem:s23+$0x9F10];
	v39 =	vpop (erf);
	v13 =	vmax.f32 v13, v16  }
0x23b: {  	v7 =	vadd.s32 $0x2800, v7;
	v11 =	vadd.f32 v11, v12;
	v41 =	vld [tilespmem:s23+$0x50F0];
	[tilespmem:s24+$0xECF0] =	vst v39;
	v13 =	vmul.f32 $1.442695020e+00, v13  }
0x23c: {  	v19 =	vld.idx.msk [tilespmem:v33+s1+$0x0], $0xffff  }
0x23d: {  	v42 =	vmul.f32 $2.000000030e-01, v11;
	v8 =	vld.idx.msk [tilespmem:v8+s1+$0x0], $0xffff;
	v43 =	vpop (erf);
	(erf) = vpow2.f32 v13  }
0x23e: {  	[tilespmem:s22+$0xED50] =	vst v43  }
0x23f: {  	v11 =	vmax.f32 v11, v42;
	v44 =	vadd.f32 v15, v38;
	v6 =	vld.idx.msk [tilespmem:v6+s12+$0x0], $0xffff;
	v45 =	vadd.s32 $0x2800, v40  }
0x240: {  	v11 =	vmul.f32 $1.442695020e+00, v11;
	v7 =	vld.idx.msk [tilespmem:v7+s12+$0x0], $0xffff  }
0x241: {  	v15 =	vmul.f32 $2.000000030e-01, v44  }
0x242: {  	(erf) = vpow2.f32 v11;
	v8 =	vadd.f32 v8, v19  }
0x243: {  	v46 =	vmax.f32 v44, v15;
	v12 =	vld.idx.msk [tilespmem:v41+s11+$0x0], $0xffff  }
0x244: {  	v10 =	vadd.s32 $0x2800, v10;
	v11 =	vmul.f32 $1.442695020e+00, v46;
	v47 =	vmul.f32 $2.000000030e-01, v8;
	v14 =	vld.idx.msk [tilespmem:v45+s11+$0x0], $0xffff  }
0x245: {  	v6 =	vadd.f32 v7, v6  }
0x246: {  	(erf) = vpow2.f32 v11;
	v49 =	vmax.f32 v8, v47;
	v51 =	vpop (erf)  }
0x247: {  	v48 =	vld [tilespmem:s26+$0x9E90];
	v52 =	vmul.f32 $2.000000030e-01, v6;
	v7 =	vmul.f32 $1.442695020e+00, v49;
	[tilespmem:s28+$0xEC70] =	vst v51  }
0x248: {  	v9 =	vld.idx.msk [tilespmem:v9+s30+$0x0], $0xffff  }
0x249: {  	v6 =	vmax.f32 v6, v52;
	(erf) = vpow2.f32 v7;
	v12 =	vadd.f32 v14, v12;
	v54 =	vld.idx.msk [tilespmem:v10+s30+$0x0], $0xffff  }
0x24a: {  	v53 =	vld [tilespmem:s26+$0x5070];
	v6 =	vmul.f32 $1.442695020e+00, v6  }
0x24b: {  	v55 =	vpop (erf);
	v14 =	vmul.f32 $2.000000030e-01, v12  }
0x24c: {  	v36 =	vld [tilespmem:s24+$0x50D0];
	s6 =	sadd.s32 $0xEC90, s25;
	s5 =	sadd.s32 $0x5050, s25;
	v11 =	vadd.s32 $0x2800, v48;
	[tilespmem:s25+$0xECD0] =	vst v55;
	(erf) = vpow2.f32 v6  }
0x24d: {  	[spmem:s3] =	stream.indirect.scatter.add.f32 [tilespmem:s6], [sflag:$0x1], $0x1, s5, s18, $0x2000b8;
	v12 =	vmax.f32 v12, v14;
	[tilespmem:$0x16C60] =	vst v63  }
0x24e: {  	v62 =	vld [tilespmem:s25+$0x50A0];
	v12 =	vmul.f32 $1.442695020e+00, v12;
	v9 =	vadd.f32 v54, v9  }
0x24f: {  	v57 =	vld [tilespmem:s25+$0x9EC0];
	v59 =	vpop (erf)  }
0x250: {  	v3 =	vadd.s32 $0x2800, v3;
	v50 =	vld [tilespmem:s23+$0x9F20];
	[tilespmem:s26+$0xECA0] =	vst v59;
	(erf) = vpow2.f32 v12;
	v61 =	vmul.f32 $2.000000030e-01, v9  }
0x251: {  	v11 =	vld.idx.msk [tilespmem:v11+s31+$0x0], $0xffff  }
0x252: {  	v13 =	vld.idx.msk [tilespmem:v53+s31+$0x0], $0xffff;
	v20 =	vpop (erf);
	v21 =	vmax.f32 v9, v61  }
0x253: {  	v4 =	vadd.s32 $0x2800, v4;
	v56 =	vld [tilespmem:s23+$0x5100];
	[tilespmem:s24+$0xED00] =	vst v20;
	v12 =	vmul.f32 $1.442695020e+00, v21  }
0x254: {  	v63 =	vadd.s32 $0x2800, v57;
	v22 =	vld.idx.msk [tilespmem:v36+s1+$0x0], $0xffff  }
0x255: {  	v3 =	vld.idx.msk [tilespmem:v3+s1+$0x0], $0xffff;
	v23 =	vpop (erf);
	(erf) = vpow2.f32 v12  }
0x256: {  	v16 =	vld.idx.msk [tilespmem:v62+s0+$0x0], $0xffff;
	[tilespmem:s22+$0xED60] =	vst v23  }
0x257: {  	v8 =	vadd.s32 $0x2800, v50;
	v11 =	vadd.f32 v11, v13;
	v5 =	vld.idx.msk [tilespmem:v5+s12+$0x0], $0xffff  }
0x258: {  	v4 =	vld.idx.msk [tilespmem:v4+s12+$0x0], $0xffff  }
0x259: {  	v24 =	vld.idx.msk [tilespmem:v63+s0+$0x0], $0xffff;
	v13 =	vmul.f32 $2.000000030e-01, v11;
	v25 =	vpop (erf)  }
0x25a: {  	v3 =	vadd.f32 v3, v22;
	[tilespmem:s23+$0xED30] =	vst v25  }
0x25b: {  	v11 =	vmax.f32 v11, v13;
	v10 =	vld.idx.msk [tilespmem:v56+s11+$0x0], $0xffff  }
0x25c: {  	v26 =	vmul.f32 $1.442695020e+00, v11;
	v27 =	vmul.f32 $2.000000030e-01, v3;
	v8 =	vld.idx.msk [tilespmem:v8+s11+$0x0], $0xffff  }
0x25d: {  	v4 =	vadd.f32 v4, v5  }
0x25e: {  	s15 =	sadd.s32 $0x5000, s28;
	s20 =	sadd.s32 $0xEC40, s28;
	(erf) = vpow2.f32 v26;
	v30 =	vadd.f32 v24, v16;
	v3 =	vmax.f32 v3, v27;
	v28 =	vpop (erf)  }
0x25f: {  	v29 =	vld [tilespmem:s26+$0x9EA0];
	v32 =	vmul.f32 $2.000000030e-01, v4;
	v3 =	vmul.f32 $1.442695020e+00, v3;
	[tilespmem:s28+$0xEC80] =	vst v28  }
0x260: {  	v31 =	vld [tilespmem:s26+$0x5080];
	v16 =	vmul.f32 $2.000000030e-01, v30;
	[spmem:s3] =	stream.indirect.scatter.add.f32 [tilespmem:s20], [sflag:$0x1], $0x1, s15, s18, $0x2000b8  }
0x261: {  	v4 =	vmax.f32 v4, v32;
	(erf) = vpow2.f32 v3;
	v8 =	vadd.f32 v8, v10;
	v3 =	vld [tilespmem:s28+$0x9E70]  }
0x262: {  	v35 =	vmax.f32 v30, v16;
	v4 =	vmul.f32 $1.442695020e+00, v4  }
0x263: {  	v16 =	vmul.f32 $1.442695020e+00, v35;
	v34 =	vld [tilespmem:s28+$0x5050];
	v37 =	vmul.f32 $2.000000030e-01, v8  }
0x264: {  	(erf) = vpow2.f32 v4  }
0x265: {  	v58 =	vld [tilespmem:s23+$0x9F30];
	v9 =	vadd.s32 $0x2800, v29;
	(erf) = vpow2.f32 v16;
	v8 =	vmax.f32 v8, v37  }
0x266: {  	v60 =	vld [tilespmem:s23+$0x5110];
	v40 =	vadd.s32 $0x2800, v3;
	v3 =	vmul.f32 $1.442695020e+00, v8  }
0x267: {  	v1 =	vadd.s32 $0x2800, v1;
	v33 =	vld [tilespmem:s25+$0x9ED0];
	v38 =	vpop (erf)  }
0x268: {  	v39 =	vld [tilespmem:s25+$0x50B0];
	[tilespmem:s26+$0xECB0] =	vst v38;
	(erf) = vpow2.f32 v3  }
0x269: {  	v41 =	vld.idx.msk [tilespmem:v31+s31+$0x0], $0xffff  }
0x26a: {  	v9 =	vld.idx.msk [tilespmem:v9+s31+$0x0], $0xffff;
	v42 =	vpop (erf)  }
0x26b: {  	v10 =	vld.idx.msk [tilespmem:v34+s30+$0x0], $0xffff;
	[tilespmem:s24+$0xED10] =	vst v42  }
0x26c: {  	v13 =	vadd.s32 $0x2800, v33;
	v45 =	vld.idx.msk [tilespmem:v1+s1+$0x0], $0xffff  }
0x26d: {  	v1 =	vpop (erf);
	v43 =	vld.idx.msk [tilespmem:v40+s30+$0x0], $0xffff  }
0x26e: {  	v44 =	vld.idx.msk [tilespmem:v2+s1+$0x0], $0xffff;
	v46 =	vpop (erf)  }
0x26f: {  	v47 =	vadd.s32 $0x2800, v58;
	v8 =	vadd.f32 v9, v41;
	[tilespmem:s25+$0xECE0] =	vst v46  }
0x270: {  	v16 =	vld.idx.msk [tilespmem:v39+s0+$0x0], $0xffff  }
0x271: {  	v48 =	vmul.f32 $2.000000030e-01, v8;
	v49 =	vld.idx.msk [tilespmem:v13+s0+$0x0], $0xffff;
	v50 =	vpop (erf)  }
0x272: {  	v10 =	vadd.f32 v43, v10;
	[tilespmem:s23+$0xED40] =	vst v50  }
0x273: {  	v8 =	vmax.f32 v8, v48;
	v51 =	vadd.f32 v45, v44;
	v14 =	vld.idx.msk [tilespmem:v60+s11+$0x0], $0xffff  }
0x274: {  	v8 =	vmul.f32 $1.442695020e+00, v8;
	v52 =	vmul.f32 $2.000000030e-01, v10;
	v9 =	vld.idx.msk [tilespmem:v47+s11+$0x0], $0xffff  }
0x275: {  	v53 =	vmul.f32 $2.000000030e-01, v51  }
0x276: {  	(erf) = vpow2.f32 v8;
	v12 =	vadd.f32 v49, v16;
	v10 =	vmax.f32 v10, v52  }
0x277: {  	v8 =	vmax.f32 v51, v53;
	v10 =	vmul.f32 $1.442695020e+00, v10  }
0x278: {  	v54 =	vld [tilespmem:s26+$0x9EB0];
	v8 =	vmul.f32 $1.442695020e+00, v8;
	v16 =	vmul.f32 $2.000000030e-01, v12  }
0x279: {  	v55 =	vld [tilespmem:s26+$0x5090];
	(erf) = vpow2.f32 v10;
	v9 =	vadd.f32 v9, v14  }
0x27a: {  	v56 =	vld [tilespmem:s28+$0x9E80];
	v12 =	vmax.f32 v12, v16;
	(erf) = vpow2.f32 v8  }
0x27b: {  	v12 =	vmul.f32 $1.442695020e+00, v12;
	v14 =	vmul.f32 $2.000000030e-01, v9;
	_ =	sdelay $0x1  }
0x27c: {  	v57 =	vadd.s32 $0x2800, v54;
	v58 =	vld [tilespmem:s28+$0x5060];
	(erf) = vpow2.f32 v12;
	v9 =	vmax.f32 v9, v14  }
0x27d: {  	v7 =	vld [tilespmem:s23+$0x9F40];
	v9 =	vmul.f32 $1.442695020e+00, v9  }
0x27e: {  	v36 =	vld [tilespmem:s25+$0x9EE0];
	v10 =	vadd.s32 $0x2800, v56;
	v59 =	vpop (erf)  }
0x27f: {  	v60 =	vld [tilespmem:s25+$0x50C0];
	[tilespmem:s26+$0xECC0] =	vst v59;
	(erf) = vpow2.f32 v9  }
0x280: {  	v13 =	vld.idx.msk [tilespmem:v55+s31+$0x0], $0xffff  }
0x281: {  	v8 =	vld.idx.msk [tilespmem:v57+s31+$0x0], $0xffff;
	v61 =	vpop (erf)  }
0x282: {  	v6 =	vld [tilespmem:s23+$0x5120];
	[tilespmem:s28+$0xEC90] =	vst v61;
	v62 =	vpop (erf)  }
0x283: {  	s6 =	sadd.s32 $0x50A0, s24;
	s12 =	sadd.s32 $0xECE0, s24;
	v11 =	vadd.s32 $0x2800, v36;
	v10 =	vld.idx.msk [tilespmem:v10+s30+$0x0], $0xffff;
	[tilespmem:s24+$0xED20] =	vst v62  }
0x284: {  	v63 =	vld.idx.msk [tilespmem:v58+s30+$0x0], $0xffff;
	[spmem:s3] =	stream.indirect.scatter.add.f32 [tilespmem:s12], [sflag:$0x1], $0x1, s6, s18, $0x2000b8  }
0x285: {  	v21 =	vpop (erf);
	v22 =	vld [tilespmem:s24+$0x9F10]  }
0x286: {  	v7 =	vadd.s32 $0x2800, v7;
	v8 =	vadd.f32 v8, v13;
	[tilespmem:s25+$0xECF0] =	vst v21;
	v23 =	vld [tilespmem:s24+$0x50F0]  }
0x287: {  	v12 =	vld.idx.msk [tilespmem:v60+s0+$0x0], $0xffff  }
0x288: {  	v24 =	vmul.f32 $2.000000030e-01, v8;
	v11 =	vld.idx.msk [tilespmem:v11+s0+$0x0], $0xffff;
	v25 =	vpop (erf)  }
0x289: {  	[tilespmem:s23+$0xED50] =	vst v25  }
0x28a: {  	v8 =	vmax.f32 v8, v24;
	v9 =	vadd.f32 v10, v63;
	v26 =	vadd.s32 $0x2800, v22;
	v6 =	vld.idx.msk [tilespmem:v6+s11+$0x0], $0xffff  }
0x28b: {  	v8 =	vmul.f32 $1.442695020e+00, v8;
	v7 =	vld.idx.msk [tilespmem:v7+s11+$0x0], $0xffff  }
0x28c: {  	v27 =	vmul.f32 $2.000000030e-01, v9  }
0x28d: {  	(erf) = vpow2.f32 v8;
	v29 =	vadd.f32 v11, v12  }
0x28e: {  	v28 =	vmax.f32 v9, v27;
	v30 =	vld.idx.msk [tilespmem:v23+s1+$0x0], $0xffff  }
0x28f: {  	v12 =	vmul.f32 $2.000000030e-01, v29;
	v8 =	vmul.f32 $1.442695020e+00, v28;
	v10 =	vld.idx.msk [tilespmem:v26+s1+$0x0], $0xffff  }
0x290: {  	v6 =	vadd.f32 v7, v6  }
0x291: {  	v32 =	vmax.f32 v29, v12;
	(erf) = vpow2.f32 v8  }
0x292: {  	v31 =	vld [tilespmem:s28+$0x9E90];
	v7 =	vmul.f32 $1.442695020e+00, v32;
	v33 =	vmul.f32 $2.000000030e-01, v6;
	_ =	sdelay $0x1  }
0x293: {  	v19 =	vld [tilespmem:s23+$0x5130];
	(erf) = vpow2.f32 v7;
	v6 =	vmax.f32 v6, v33;
	v37 =	vadd.f32 v10, v30  }
0x294: {  	v34 =	vld [tilespmem:s28+$0x5070];
	v6 =	vmul.f32 $1.442695020e+00, v6  }
0x295: {  	v5 =	vld [tilespmem:s25+$0x9EF0];
	v36 =	vpop (erf);
	v10 =	vmul.f32 $2.000000030e-01, v37  }
0x296: {  	v20 =	vld [tilespmem:s25+$0x50D0];
	s15 =	sadd.s32 $0x5050, s26;
	s20 =	sadd.s32 $0xEC90, s26;
	v8 =	vadd.s32 $0x2800, v31;
	[tilespmem:s26+$0xECD0] =	vst v36;
	(erf) = vpow2.f32 v6  }
0x297: {  	v4 =	vld [tilespmem:s23+$0x9F50];
	[spmem:s3] =	stream.indirect.scatter.add.f32 [tilespmem:s20], [sflag:$0x1], $0x1, s15, s18, $0x2000b8;
	v9 =	vmax.f32 v37, v10  }
0x298: {  	v43 =	vld [tilespmem:s26+$0x50A0];
	v9 =	vmul.f32 $1.442695020e+00, v9  }
0x299: {  	v39 =	vld [tilespmem:s26+$0x9EC0];
	v41 =	vpop (erf)  }
0x29a: {  	v5 =	vadd.s32 $0x2800, v5;
	v35 =	vld [tilespmem:s24+$0x9F20];
	[tilespmem:s28+$0xECA0] =	vst v41;
	(erf) = vpow2.f32 v9  }
0x29b: {  	v8 =	vld.idx.msk [tilespmem:v8+s30+$0x0], $0xffff  }
0x29c: {  	v12 =	vld.idx.msk [tilespmem:v34+s30+$0x0], $0xffff;
	v45 =	vpop (erf)  }
0x29d: {  	v4 =	vadd.s32 $0x2800, v4;
	v38 =	vld [tilespmem:s24+$0x5100];
	[tilespmem:s25+$0xED00] =	vst v45  }
0x29e: {  	v6 =	vadd.s32 $0x2800, v39;
	v14 =	vld.idx.msk [tilespmem:v20+s0+$0x0], $0xffff  }
0x29f: {  	v5 =	vld.idx.msk [tilespmem:v5+s0+$0x0], $0xffff;
	v46 =	vpop (erf)  }
0x2a0: {  	v9 =	vld.idx.msk [tilespmem:v43+s31+$0x0], $0xffff;
	[tilespmem:s23+$0xED60] =	vst v46  }
0x2a1: {  	v47 =	vadd.s32 $0x2800, v35;
	v8 =	vadd.f32 v8, v12;
	v48 =	vld.idx.msk [tilespmem:v19+s11+$0x0], $0xffff  }
0x2a2: {  	v4 =	vld.idx.msk [tilespmem:v4+s11+$0x0], $0xffff  }
0x2a3: {  	v6 =	vld.idx.msk [tilespmem:v6+s31+$0x0], $0xffff;
	v49 =	vmul.f32 $2.000000030e-01, v8;
	v50 =	vpop (erf)  }
0x2a4: {  	[tilespmem:s24+$0xED30] =	vst v50  }
0x2a5: {  	v5 =	vadd.f32 v5, v14;
	v8 =	vmax.f32 v8, v49;
	v7 =	vld.idx.msk [tilespmem:v38+s1+$0x0], $0xffff  }
0x2a6: {  	v8 =	vmul.f32 $1.442695020e+00, v8;
	v12 =	vld.idx.msk [tilespmem:v47+s1+$0x0], $0xffff  }
0x2a7: {  	v14 =	vmul.f32 $2.000000030e-01, v5;
	v4 =	vadd.f32 v4, v48  }
0x2a8: {  	v6 =	vadd.f32 v6, v9;
	(erf) = vpow2.f32 v8  }
0x2a9: {  	v5 =	vmax.f32 v5, v14;
	v13 =	vmul.f32 $2.000000030e-01, v4  }
0x2aa: {  	v51 =	vld [tilespmem:s28+$0x9EA0];
	v53 =	vmul.f32 $2.000000030e-01, v6;
	v5 =	vmul.f32 $1.442695020e+00, v5  }
0x2ab: {  	v52 =	vld [tilespmem:s28+$0x5080];
	v54 =	vadd.f32 v12, v7;
	v4 =	vmax.f32 v4, v13  }
0x2ac: {  	v6 =	vmax.f32 v6, v53;
	(erf) = vpow2.f32 v5;
	v4 =	vmul.f32 $1.442695020e+00, v4  }
0x2ad: {  	v6 =	vmul.f32 $1.442695020e+00, v6;
	v56 =	vmul.f32 $2.000000030e-01, v54  }
0x2ae: {  	v3 =	vld [tilespmem:s25+$0x9F00];
	(erf) = vpow2.f32 v4  }
0x2af: {  	v2 =	vld [tilespmem:s25+$0x50E0];
	v55 =	vadd.s32 $0x2800, v51;
	(erf) = vpow2.f32 v6;
	v5 =	vmax.f32 v54, v56  }
0x2b0: {  	v40 =	vld [tilespmem:s24+$0x9F30];
	v61 =	vmul.f32 $1.442695020e+00, v5  }
0x2b1: {  	v57 =	vld [tilespmem:s26+$0x9ED0];
	v59 =	vpop (erf)  }
0x2b2: {  	v60 =	vld [tilespmem:s26+$0x50B0];
	[tilespmem:s28+$0xECB0] =	vst v59;
	(erf) = vpow2.f32 v61  }
0x2b3: {  	v3 =	vadd.s32 $0x2800, v3;
	v62 =	vld.idx.msk [tilespmem:v52+s30+$0x0], $0xffff  }
0x2b4: {  	v7 =	vld.idx.msk [tilespmem:v55+s30+$0x0], $0xffff  }
0x2b5: {  	v42 =	vld [tilespmem:s24+$0x5110];
	v22 =	vpop (erf)  }
0x2b6: {  	v12 =	vadd.s32 $0x2800, v57;
	[tilespmem:s25+$0xED10] =	vst v22  }
0x2b7: {  	v14 =	vld.idx.msk [tilespmem:v2+s0+$0x0], $0xffff;
	v2 =	vpop (erf)  }
0x2b8: {  	v23 =	vld.idx.msk [tilespmem:v3+s0+$0x0], $0xffff;
	v24 =	vpop (erf)  }
0x2b9: {  	v26 =	vadd.s32 $0x2800, v40;
	v5 =	vadd.f32 v7, v62;
	[tilespmem:s26+$0xECE0] =	vst v24  }
0x2ba: {  	v6 =	vld.idx.msk [tilespmem:v60+s31+$0x0], $0xffff  }
0x2bb: {  	v27 =	vmul.f32 $2.000000030e-01, v5;
	v12 =	vld.idx.msk [tilespmem:v12+s31+$0x0], $0xffff;
	v28 =	vpop (erf)  }
0x2bc: {  	[tilespmem:s24+$0xED40] =	vst v28  }
0x2bd: {  	v29 =	vadd.f32 v23, v14;
	v5 =	vmax.f32 v5, v27;
	v10 =	vld.idx.msk [tilespmem:v42+s1+$0x0], $0xffff  }
0x2be: {  	v5 =	vmul.f32 $1.442695020e+00, v5;
	v7 =	vld.idx.msk [tilespmem:v26+s1+$0x0], $0xffff  }
0x2bf: {  	v30 =	vmul.f32 $2.000000030e-01, v29  }
0x2c0: {  	(erf) = vpow2.f32 v5;
	v6 =	vadd.f32 v12, v6  }
0x2c1: {  	v5 =	vmax.f32 v29, v30  }
0x2c2: {  	v31 =	vld [tilespmem:s28+$0x9EB0];
	v5 =	vmul.f32 $1.442695020e+00, v5;
	v33 =	vmul.f32 $2.000000030e-01, v6  }
0x2c3: {  	v32 =	vld [tilespmem:s28+$0x5090];
	v7 =	vadd.f32 v7, v10  }
0x2c4: {  	(erf) = vpow2.f32 v5;
	v6 =	vmax.f32 v6, v33  }
0x2c5: {  	v6 =	vmul.f32 $1.442695020e+00, v6;
	v10 =	vmul.f32 $2.000000030e-01, v7;
	_ =	sdelay $0x1  }
0x2c6: {  	v34 =	vadd.s32 $0x2800, v31;
	(erf) = vpow2.f32 v6;
	v36 =	vmax.f32 v7, v10  }
0x2c7: {  	v44 =	vld [tilespmem:s24+$0x9F40];
	v6 =	vmul.f32 $1.442695020e+00, v36  }
0x2c8: {  	v58 =	vld [tilespmem:s26+$0x9EE0];
	v35 =	vpop (erf)  }
0x2c9: {  	v37 =	vld [tilespmem:s26+$0x50C0];
	[tilespmem:s28+$0xECC0] =	vst v35;
	(erf) = vpow2.f32 v6  }
0x2ca: {  	v38 =	vld.idx.msk [tilespmem:v32+s30+$0x0], $0xffff  }
0x2cb: {  	v5 =	vld.idx.msk [tilespmem:v34+s30+$0x0], $0xffff  }
0x2cc: {  	v17 =	vld [tilespmem:s24+$0x5120]  }
0x2cd: {  	v40 =	vadd.s32 $0x2800, v58;
	v39 =	vpop (erf)  }
0x2ce: {  	s5 =	sadd.s32 $0x50A0, s25;
	s6 =	sadd.s32 $0xECE0, s25;
	[tilespmem:s25+$0xED20] =	vst v39  }
0x2cf: {  	[spmem:s3] =	stream.indirect.scatter.add.f32 [tilespmem:s6], [sflag:$0x1], $0x1, s5, s18, $0x2000b8;
	v42 =	vpop (erf);
	[tilespmem:$0x16C60] =	vst v63  }
0x2d0: {  	v44 =	vadd.s32 $0x2800, v44;
	v43 =	vld [tilespmem:s25+$0x9F10];
	v5 =	vadd.f32 v5, v38;
	[tilespmem:s26+$0xECF0] =	vst v42  }
0x2d1: {  	v7 =	vld.idx.msk [tilespmem:v37+s31+$0x0], $0xffff  }
0x2d2: {  	v45 =	vmul.f32 $2.000000030e-01, v5;
	v11 =	vld.idx.msk [tilespmem:v40+s31+$0x0], $0xffff;
	v46 =	vpop (erf)  }
0x2d3: {  	v47 =	vld [tilespmem:s25+$0x50F0];
	[tilespmem:s24+$0xED50] =	vst v46  }
0x2d4: {  	v5 =	vmax.f32 v5, v45;
	v14 =	vld.idx.msk [tilespmem:v17+s1+$0x0], $0xffff  }
0x2d5: {  	v5 =	vmul.f32 $1.442695020e+00, v5;
	v10 =	vld.idx.msk [tilespmem:v44+s1+$0x0], $0xffff;
	_ =	sdelay $0x1  }
0x2d6: {  	v48 =	vadd.s32 $0x2800, v43;
	(erf) = vpow2.f32 v5;
	v7 =	vadd.f32 v11, v7;
	_ =	sdelay $0x1  }
0x2d7: {  	v11 =	vmul.f32 $2.000000030e-01, v7  }
0x2d8: {  	v10 =	vadd.f32 v10, v14  }
0x2d9: {  	v49 =	vld.idx.msk [tilespmem:v47+s0+$0x0], $0xffff;
	v7 =	vmax.f32 v7, v11  }
0x2da: {  	v5 =	vld.idx.msk [tilespmem:v48+s0+$0x0], $0xffff;
	v7 =	vmul.f32 $1.442695020e+00, v7;
	v50 =	vmul.f32 $2.000000030e-01, v10;
	_ =	sdelay $0x1  }
0x2db: {  	(erf) = vpow2.f32 v7;
	v51 =	vmax.f32 v10, v50  }
0x2dc: {  	v21 =	vld [tilespmem:s24+$0x9F50];
	v7 =	vmul.f32 $1.442695020e+00, v51  }
0x2dd: {  	v63 =	vld [tilespmem:s26+$0x9EF0];
	v52 =	vpop (erf)  }
0x2de: {  	s12 =	sadd.s32 $0xEC90, s28;
	v41 =	vld [tilespmem:s26+$0x50D0];
	s11 =	sadd.s32 $0x5050, s28;
	v5 =	vadd.f32 v5, v49;
	[tilespmem:s28+$0xECD0] =	vst v52;
	(erf) = vpow2.f32 v7  }
0x2df: {  	v25 =	vld [tilespmem:s24+$0x5130];
	[spmem:s3] =	stream.indirect.scatter.add.f32 [tilespmem:s12], [sflag:$0x1], $0x1, s11, s18, $0x2000b8  }
0x2e0: {  	v54 =	vmul.f32 $2.000000030e-01, v5;
	v56 =	vld [tilespmem:s28+$0x50A0]  }
0x2e1: {  	v53 =	vld [tilespmem:s28+$0x9EC0]  }
0x2e2: {  	v8 =	vadd.s32 $0x2800, v63;
	v5 =	vmax.f32 v5, v54  }
0x2e3: {  	v5 =	vmul.f32 $1.442695020e+00, v5  }
0x2e4: {  	v55 =	vld [tilespmem:s25+$0x9F20];
	v58 =	vpop (erf)  }
0x2e5: {  	v60 =	vadd.s32 $0x2800, v21;
	v57 =	vld [tilespmem:s25+$0x5100];
	(erf) = vpow2.f32 v5;
	[tilespmem:s26+$0xED00] =	vst v58  }
0x2e6: {  	v7 =	vadd.s32 $0x2800, v53;
	v6 =	vld.idx.msk [tilespmem:v41+s31+$0x0], $0xffff  }
0x2e7: {  	v8 =	vld.idx.msk [tilespmem:v8+s31+$0x0], $0xffff;
	v61 =	vpop (erf)  }
0x2e8: {  	v10 =	vld.idx.msk [tilespmem:v56+s30+$0x0], $0xffff;
	[tilespmem:s24+$0xED60] =	vst v61  }
0x2e9: {  	v9 =	vld.idx.msk [tilespmem:v25+s1+$0x0], $0xffff  }
0x2ea: {  	v5 =	vld.idx.msk [tilespmem:v60+s1+$0x0], $0xffff  }
0x2eb: {  	v7 =	vld.idx.msk [tilespmem:v7+s30+$0x0], $0xffff  }
0x2ec: {  	v11 =	vadd.s32 $0x2800, v55  }
0x2ed: {  	v6 =	vadd.f32 v8, v6  }
0x2ee: {  	v21 =	vpop (erf)  }
0x2ef: {  	v22 =	vmul.f32 $2.000000030e-01, v6;
	[tilespmem:s25+$0xED30] =	vst v21;
	v5 =	vadd.f32 v5, v9  }
0x2f0: {  	v7 =	vadd.f32 v7, v10;
	v23 =	vld.idx.msk [tilespmem:v57+s0+$0x0], $0xffff  }
0x2f1: {  	v6 =	vmax.f32 v6, v22;
	v24 =	vld.idx.msk [tilespmem:v11+s0+$0x0], $0xffff;
	v25 =	vmul.f32 $2.000000030e-01, v5  }
0x2f2: {  	v26 =	vmul.f32 $2.000000030e-01, v7;
	v6 =	vmul.f32 $1.442695020e+00, v6  }
0x2f3: {  	v5 =	vmax.f32 v5, v25  }
0x2f4: {  	v27 =	vmax.f32 v7, v26;
	(erf) = vpow2.f32 v6;
	v5 =	vmul.f32 $1.442695020e+00, v5  }
0x2f5: {  	v6 =	vmul.f32 $1.442695020e+00, v27  }
0x2f6: {  	v4 =	vld [tilespmem:s26+$0x9F00];
	v28 =	vadd.f32 v24, v23;
	(erf) = vpow2.f32 v5  }
0x2f7: {  	v3 =	vld [tilespmem:s26+$0x50E0];
	(erf) = vpow2.f32 v6  }
0x2f8: {  	v29 =	vmul.f32 $2.000000030e-01, v28  }
0x2f9: {  	v30 =	vld [tilespmem:s28+$0x9ED0]  }
0x2fa: {  	v31 =	vld [tilespmem:s28+$0x50B0];
	v5 =	vmax.f32 v28, v29  }
0x2fb: {  	v4 =	vadd.s32 $0x2800, v4;
	v5 =	vmul.f32 $1.442695020e+00, v5;
	_ =	sdelay $0x1  }
0x2fc: {  	v59 =	vld [tilespmem:s25+$0x9F30];
	v34 =	vpop (erf);
	(erf) = vpow2.f32 v5  }
0x2fd: {  	v62 =	vld [tilespmem:s25+$0x5110];
	v6 =	vadd.s32 $0x2800, v30;
	[tilespmem:s26+$0xED10] =	vst v34  }
0x2fe: {  	v11 =	vld.idx.msk [tilespmem:v3+s31+$0x0], $0xffff;
	v3 =	vpop (erf)  }
0x2ff: {  	v4 =	vld.idx.msk [tilespmem:v4+s31+$0x0], $0xffff;
	v37 =	vpop (erf)  }
0x300: {  	[tilespmem:s28+$0xECE0] =	vst v37  }
0x301: {  	v9 =	vld.idx.msk [tilespmem:v31+s30+$0x0], $0xffff  }
0x302: {  	v6 =	vld.idx.msk [tilespmem:v6+s30+$0x0], $0xffff  }
0x303: {  	v14 =	vadd.s32 $0x2800, v59  }
0x304: {  	v4 =	vadd.f32 v4, v11  }
0x305: {  	v40 =	vpop (erf)  }
0x306: {  	v41 =	vmul.f32 $2.000000030e-01, v4;
	[tilespmem:s25+$0xED40] =	vst v40  }
0x307: {  	v13 =	vld.idx.msk [tilespmem:v62+s0+$0x0], $0xffff;
	v6 =	vadd.f32 v6, v9  }
0x308: {  	v42 =	vld.idx.msk [tilespmem:v14+s0+$0x0], $0xffff;
	v4 =	vmax.f32 v4, v41  }
0x309: {  	v4 =	vmul.f32 $1.442695020e+00, v4;
	v43 =	vmul.f32 $2.000000030e-01, v6;
	_ =	sdelay $0x1  }
0x30a: {  	(erf) = vpow2.f32 v4;
	v6 =	vmax.f32 v6, v43  }
0x30b: {  	v44 =	vmul.f32 $1.442695020e+00, v6  }
0x30c: {  	v45 =	vadd.f32 v42, v13  }
0x30d: {  	(erf) = vpow2.f32 v44  }
0x30e: {  	v46 =	vmul.f32 $2.000000030e-01, v45  }
0x30f: {  	v32 =	vld [tilespmem:s28+$0x9EE0]  }
0x310: {  	v47 =	vld [tilespmem:s28+$0x50C0];
	v4 =	vmax.f32 v45, v46  }
0x311: {  	v4 =	vmul.f32 $1.442695020e+00, v4;
	_ =	sdelay $0x1  }
0x312: {  	(erf) = vpow2.f32 v4;
	v48 =	vpop (erf)  }
0x313: {  	s15 =	sadd.s32 $0x50A0, s26;
	s20 =	sadd.s32 $0xECE0, s26;
	v63 =	vld [tilespmem:s25+$0x9F40];
	v49 =	vadd.s32 $0x2800, v32;
	[tilespmem:s26+$0xED20] =	vst v48  }
0x314: {  	v20 =	vld [tilespmem:s25+$0x5120];
	[spmem:s3] =	stream.indirect.scatter.add.f32 [tilespmem:s20], [sflag:$0x1], $0x1, s15, s18, $0x2000b8  }
0x315: {  	v52 =	vld [tilespmem:s26+$0x9F10];
	v51 =	vpop (erf)  }
0x316: {  	v53 =	vld [tilespmem:s26+$0x50F0];
	[tilespmem:s28+$0xECF0] =	vst v51  }
0x317: {  	v9 =	vld.idx.msk [tilespmem:v47+s30+$0x0], $0xffff  }
0x318: {  	v6 =	vld.idx.msk [tilespmem:v49+s30+$0x0], $0xffff  }
0x319: {  	v8 =	vadd.s32 $0x2800, v63;
	_ =	sdelay $0x1  }
0x31a: {  	v13 =	vadd.s32 $0x2800, v52;
	v54 =	vpop (erf)  }
0x31b: {  	[tilespmem:s25+$0xED50] =	vst v54  }
0x31c: {  	v14 =	vld.idx.msk [tilespmem:v20+s0+$0x0], $0xffff;
	v6 =	vadd.f32 v6, v9  }
0x31d: {  	v8 =	vld.idx.msk [tilespmem:v8+s0+$0x0], $0xffff  }
0x31e: {  	v7 =	vld.idx.msk [tilespmem:v53+s31+$0x0], $0xffff;
	v9 =	vmul.f32 $2.000000030e-01, v6  }
0x31f: {  	v13 =	vld.idx.msk [tilespmem:v13+s31+$0x0], $0xffff  }
0x320: {  	v6 =	vmax.f32 v6, v9  }
0x321: {  	v6 =	vmul.f32 $1.442695020e+00, v6  }
0x322: {  	v8 =	vadd.f32 v8, v14  }
0x323: {  	(erf) = vpow2.f32 v6  }
0x324: {  	v55 =	vmul.f32 $2.000000030e-01, v8;
	v7 =	vadd.f32 v13, v7  }
0x325: {  	v33 =	vld [tilespmem:s28+$0x9EF0]  }
0x326: {  	v50 =	vld [tilespmem:s28+$0x50D0];
	v6 =	vmax.f32 v8, v55;
	v56 =	vmul.f32 $2.000000030e-01, v7  }
0x327: {  	v6 =	vmul.f32 $1.442695020e+00, v6  }
0x328: {  	v7 =	vmax.f32 v7, v56  }
0x329: {  	(erf) = vpow2.f32 v6;
	v57 =	vmul.f32 $1.442695020e+00, v7  }
0x32a: {  	v39 =	vld [tilespmem:s25+$0x5130];
	v58 =	vadd.s32 $0x2800, v33  }
0x32b: {  	v38 =	vld [tilespmem:s25+$0x9F50];
	(erf) = vpow2.f32 v57  }
0x32c: {  	v59 =	vld [tilespmem:s26+$0x9F20];
	v60 =	vpop (erf)  }
0x32d: {  	v61 =	vld [tilespmem:s26+$0x5100];
	[tilespmem:s28+$0xED00] =	vst v60  }
0x32e: {  	v4 =	vld.idx.msk [tilespmem:v50+s30+$0x0], $0xffff  }
0x32f: {  	v7 =	vld.idx.msk [tilespmem:v58+s30+$0x0], $0xffff  }
0x330: {  	v63 =	vadd.s32 $0x2800, v38;
	_ =	sdelay $0x1  }
0x331: {  	v6 =	vadd.s32 $0x2800, v59;
	v22 =	vpop (erf)  }
0x332: {  	[tilespmem:s25+$0xED60] =	vst v22  }
0x333: {  	v11 =	vld.idx.msk [tilespmem:v39+s0+$0x0], $0xffff;
	v24 =	vpop (erf);
	v4 =	vadd.f32 v7, v4  }
0x334: {  	v25 =	vld.idx.msk [tilespmem:v63+s0+$0x0], $0xffff;
	[tilespmem:s26+$0xED30] =	vst v24  }
0x335: {  	v9 =	vld.idx.msk [tilespmem:v61+s31+$0x0], $0xffff;
	v26 =	vmul.f32 $2.000000030e-01, v4  }
0x336: {  	v6 =	vld.idx.msk [tilespmem:v6+s31+$0x0], $0xffff  }
0x337: {  	v4 =	vmax.f32 v4, v26  }
0x338: {  	v4 =	vmul.f32 $1.442695020e+00, v4;
	_ =	sdelay $0x1  }
0x339: {  	v7 =	vadd.f32 v25, v11;
	(erf) = vpow2.f32 v4  }
0x33a: {  	v27 =	vadd.f32 v6, v9  }
0x33b: {  	v35 =	vld [tilespmem:s28+$0x9F00];
	v28 =	vmul.f32 $2.000000030e-01, v7  }
0x33c: {  	v36 =	vld [tilespmem:s28+$0x50E0];
	v9 =	vmul.f32 $2.000000030e-01, v27  }
0x33d: {  	v6 =	vmax.f32 v7, v28  }
0x33e: {  	v6 =	vmul.f32 $1.442695020e+00, v6;
	v4 =	vmax.f32 v27, v9  }
0x33f: {  	v4 =	vmul.f32 $1.442695020e+00, v4  }
0x340: {  	v5 =	vadd.s32 $0x2800, v35;
	(erf) = vpow2.f32 v6  }
0x341: {  	(erf) = vpow2.f32 v4  }
0x342: {  	v62 =	vld [tilespmem:s26+$0x9F30];
	v29 =	vpop (erf)  }
0x343: {  	v20 =	vld [tilespmem:s26+$0x5110];
	[tilespmem:s28+$0xED10] =	vst v29  }
0x344: {  	v4 =	vld.idx.msk [tilespmem:v36+s30+$0x0], $0xffff  }
0x345: {  	v5 =	vld.idx.msk [tilespmem:v5+s30+$0x0], $0xffff;
	_ =	sdelay $0x2  }
0x346: {  	v30 =	vadd.s32 $0x2800, v62  }
0x347: {  	v32 =	vpop (erf)  }
0x348: {  	v34 =	vpop (erf);
	v4 =	vadd.f32 v5, v4  }
0x349: {  	[tilespmem:s26+$0xED40] =	vst v34  }
0x34a: {  	v35 =	vld.idx.msk [tilespmem:v20+s31+$0x0], $0xffff;
	v36 =	vmul.f32 $2.000000030e-01, v4  }
0x34b: {  	v6 =	vld.idx.msk [tilespmem:v30+s31+$0x0], $0xffff  }
0x34c: {  	v4 =	vmax.f32 v4, v36  }
0x34d: {  	v4 =	vmul.f32 $1.442695020e+00, v4;
	_ =	sdelay $0x1  }
0x34e: {  	(erf) = vpow2.f32 v4  }
0x34f: {  	v37 =	vadd.f32 v6, v35;
	_ =	sdelay $0x1  }
0x350: {  	v5 =	vmul.f32 $2.000000030e-01, v37;
	_ =	sdelay $0x1  }
0x351: {  	v4 =	vmax.f32 v37, v5  }
0x352: {  	v4 =	vmul.f32 $1.442695020e+00, v4;
	_ =	sdelay $0x1  }
0x353: {  	(erf) = vpow2.f32 v4  }
0x354: {  	v38 =	vpop (erf)  }
0x355: {  	s2 =	sadd.s32 $0xECE0, s28;
	s1 =	sadd.s32 $0x50A0, s28;
	v21 =	vld [tilespmem:s26+$0x9F40];
	[tilespmem:s28+$0xED20] =	vst v38  }
0x356: {  	v23 =	vld [tilespmem:s26+$0x5120];
	[spmem:s3] =	stream.indirect.scatter.add.f32 [tilespmem:s2], [sflag:$0x1], $0x1, s1, s18, $0x2000b8  }
0x357: {  	v39 =	vld [tilespmem:s28+$0x9F10]  }
0x358: {  	v40 =	vld [tilespmem:s28+$0x50F0];
	_ =	sdelay $0x1  }
0x359: {  	v41 =	vadd.s32 $0x2800, v21;
	_ =	sdelay $0x1  }
0x35a: {  	v42 =	vpop (erf);
	v4 =	vadd.s32 $0x2800, v39  }
0x35b: {  	[tilespmem:s26+$0xED50] =	vst v42  }
0x35c: {  	v10 =	vld.idx.msk [tilespmem:v23+s31+$0x0], $0xffff  }
0x35d: {  	v6 =	vld.idx.msk [tilespmem:v41+s31+$0x0], $0xffff  }
0x35e: {  	v5 =	vld.idx.msk [tilespmem:v40+s30+$0x0], $0xffff  }
0x35f: {  	v4 =	vld.idx.msk [tilespmem:v4+s30+$0x0], $0xffff;
	_ =	sdelay $0x2  }
0x360: {  	v6 =	vadd.f32 v6, v10;
	_ =	sdelay $0x1  }
0x361: {  	v10 =	vmul.f32 $2.000000030e-01, v6;
	v4 =	vadd.f32 v4, v5;
	_ =	sdelay $0x1  }
0x362: {  	v43 =	vmax.f32 v6, v10;
	v44 =	vmul.f32 $2.000000030e-01, v4  }
0x363: {  	v5 =	vmul.f32 $1.442695020e+00, v43  }
0x364: {  	v4 =	vmax.f32 v4, v44  }
0x365: {  	(erf) = vpow2.f32 v5;
	v4 =	vmul.f32 $1.442695020e+00, v4;
	_ =	sdelay $0x1  }
0x366: {  	v31 =	vld [tilespmem:s26+$0x9F50];
	(erf) = vpow2.f32 v4  }
0x367: {  	v33 =	vld [tilespmem:s26+$0x5130]  }
0x368: {  	v45 =	vld [tilespmem:s28+$0x9F20]  }
0x369: {  	v46 =	vld [tilespmem:s28+$0x5100];
	_ =	sdelay $0x1  }
0x36a: {  	v7 =	vadd.s32 $0x2800, v31;
	_ =	sdelay $0x1  }
0x36b: {  	v4 =	vadd.s32 $0x2800, v45;
	v50 =	vpop (erf)  }
0x36c: {  	[tilespmem:s26+$0xED60] =	vst v50  }
0x36d: {  	v9 =	vld.idx.msk [tilespmem:v33+s31+$0x0], $0xffff;
	v52 =	vpop (erf)  }
0x36e: {  	v7 =	vld.idx.msk [tilespmem:v7+s31+$0x0], $0xffff;
	[tilespmem:s28+$0xED30] =	vst v52  }
0x36f: {  	v5 =	vld.idx.msk [tilespmem:v46+s30+$0x0], $0xffff  }
0x370: {  	v4 =	vld.idx.msk [tilespmem:v4+s30+$0x0], $0xffff;
	_ =	sdelay $0x3  }
0x371: {  	v7 =	vadd.f32 v7, v9  }
0x372: {  	v4 =	vadd.f32 v4, v5  }
0x373: {  	v53 =	vmul.f32 $2.000000030e-01, v7  }
0x374: {  	v54 =	vmul.f32 $2.000000030e-01, v4  }
0x375: {  	v5 =	vmax.f32 v7, v53  }
0x376: {  	v5 =	vmul.f32 $1.442695020e+00, v5;
	v4 =	vmax.f32 v4, v54  }
0x377: {  	v4 =	vmul.f32 $1.442695020e+00, v4  }
0x378: {  	(erf) = vpow2.f32 v5  }
0x379: {  	(erf) = vpow2.f32 v4;
	_ =	sdelay $0x1  }
0x37a: {  	v47 =	vld [tilespmem:s28+$0x9F30]  }
0x37b: {  	v48 =	vld [tilespmem:s28+$0x5110];
	_ =	sdelay $0x3  }
0x37c: {  	v55 =	vadd.s32 $0x2800, v47  }
0x37d: {  	v57 =	vpop (erf)  }
0x37e: {  	v59 =	vpop (erf)  }
0x37f: {  	[tilespmem:s28+$0xED40] =	vst v59  }
0x380: {  	v9 =	vld.idx.msk [tilespmem:v48+s30+$0x0], $0xffff  }
0x381: {  	v4 =	vld.idx.msk [tilespmem:v55+s30+$0x0], $0xffff;
	_ =	sdelay $0x4  }
0x382: {  	v4 =	vadd.f32 v4, v9;
	_ =	sdelay $0x1  }
0x383: {  	v9 =	vmul.f32 $2.000000030e-01, v4;
	_ =	sdelay $0x1  }
0x384: {  	v4 =	vmax.f32 v4, v9  }
0x385: {  	v4 =	vmul.f32 $1.442695020e+00, v4;
	_ =	sdelay $0x1  }
0x386: {  	(erf) = vpow2.f32 v4;
	_ =	sdelay $0x1  }
0x387: {  	v49 =	vld [tilespmem:s28+$0x9F40]  }
0x388: {  	v51 =	vld [tilespmem:s28+$0x5120];
	_ =	sdelay $0x3  }
0x389: {  	v60 =	vadd.s32 $0x2800, v49;
	_ =	sdelay $0x1  }
0x38a: {  	v61 =	vpop (erf)  }
0x38b: {  	[tilespmem:s28+$0xED50] =	vst v61  }
0x38c: {  	v9 =	vld.idx.msk [tilespmem:v51+s30+$0x0], $0xffff  }
0x38d: {  	v4 =	vld.idx.msk [tilespmem:v60+s30+$0x0], $0xffff;
	_ =	sdelay $0x4  }
0x38e: {  	v4 =	vadd.f32 v4, v9;
	_ =	sdelay $0x1  }
0x38f: {  	v9 =	vmul.f32 $2.000000030e-01, v4;
	_ =	sdelay $0x1  }
0x390: {  	v4 =	vmax.f32 v4, v9  }
0x391: {  	v4 =	vmul.f32 $1.442695020e+00, v4;
	_ =	sdelay $0x1  }
0x392: {  	(erf) = vpow2.f32 v4;
	_ =	sdelay $0x1  }
0x393: {  	v56 =	vld [tilespmem:s28+$0x9F50]  }
0x394: {  	v58 =	vld [tilespmem:s28+$0x5130];
	_ =	sdelay $0x3  }
0x395: {  	v62 =	vadd.s32 $0x2800, v56;
	_ =	sdelay $0x1  }
0x396: {  	v63 =	vpop (erf)  }
0x397: {  	[tilespmem:s28+$0xED60] =	vst v63  }
0x398: {  	v5 =	vld.idx.msk [tilespmem:v58+s30+$0x0], $0xffff  }
0x399: {  	v4 =	vld.idx.msk [tilespmem:v62+s30+$0x0], $0xffff;
	_ =	sdelay $0x4  }
0x39a: {  	v4 =	vadd.f32 v4, v5;
	_ =	sdelay $0x1  }
0x39b: {  	v5 =	vmul.f32 $2.000000030e-01, v4;
	_ =	sdelay $0x1  }
0x39c: {  	v4 =	vmax.f32 v4, v5  }
0x39d: {  	v4 =	vmul.f32 $1.442695020e+00, v4;
	_ =	sdelay $0x1  }
0x39e: {  	[tilespmem:s22+$0xED70] =	vst v1;
	s5 =	sadd.s32 $0x50F0, s22;
	s6 =	sadd.s32 $0xED30, s22;
	(erf) = vpow2.f32 v4  }
0x39f: {  	[spmem:s3] =	stream.indirect.scatter.add.f32 [tilespmem:s6], [sflag:$0x1], $0x1, s5, s18, $0x2000b8;
	[tilespmem:$0x16C60] =	vst v63  }
0x3a0: {  	[tilespmem:s23+$0xED70] =	vst v2;
	s11 =	sadd.s32 $0x50F0, s23;
	s12 =	sadd.s32 $0xED30, s23  }
0x3a1: {  	[spmem:s3] =	stream.indirect.scatter.add.f32 [tilespmem:s12], [sflag:$0x1], $0x1, s11, s18, $0x2000b8;
	[tilespmem:$0x16C60] =	vst v63  }
0x3a2: {  	[tilespmem:s24+$0xED70] =	vst v3;
	s15 =	sadd.s32 $0x50F0, s24;
	s20 =	sadd.s32 $0xED30, s24  }
0x3a3: {  	[spmem:s3] =	stream.indirect.scatter.add.f32 [tilespmem:s20], [sflag:$0x1], $0x1, s15, s18, $0x2000b8;
	[tilespmem:$0x16C60] =	vst v63  }
0x3a4: {  	s22 =	sadd.s32 $0x50F0, s25;
	s23 =	sadd.s32 $0xED30, s25;
	[tilespmem:s25+$0xED70] =	vst v32  }
0x3a5: {  	[spmem:s3] =	stream.indirect.scatter.add.f32 [tilespmem:s23], [sflag:$0x1], $0x1, s22, s18, $0x2000b8;
	[tilespmem:$0x16C60] =	vst v63  }
0x3a6: {  	s24 =	sadd.s32 $0x50F0, s26;
	s25 =	sadd.s32 $0xED30, s26;
	[tilespmem:s26+$0xED70] =	vst v57  }
0x3a7: {  	[spmem:s3] =	stream.indirect.scatter.add.f32 [tilespmem:s25], [sflag:$0x1], $0x1, s24, s18, $0x2000b8;
	v1 =	vpop (erf);
	[tilespmem:$0x16C60] =	vst v63  }
0x3a8: {  	s31 =	sadd.s32 $0xED30, s28;
	s30 =	sadd.s32 $0x50F0, s28;
	[tilespmem:s28+$0xED70] =	vst v1  }
0x3a9: {  	[spmem:s3] =	stream.indirect.scatter.add.f32 [tilespmem:s31], [sflag:$0x1], $0x1, s30, s18, $0x2000b8;
	[tilespmem:$0x16C60] =	vst v63  }
.LBB2_4:
0x3aa: {  	s0 =	sshra.s32 s29, $0x2  }
0x3ab: {  	v1 =	vld [tilespmem:s0+$0xEBA0]  }
0x3ac: {  	v2 =	vld [tilespmem:s0+$0x9D80];
	_ =	sdelay $0x3  }
0x3ad: {  	v1 =	vadd.s32 $0x2800, v1;
	_ =	sdelay $0x3  }
0x3ae: {  	v2 =	vld.idx.msk [tilespmem:v2+s4+$0x0], $0xffff  }
0x3af: {  	v1 =	vld.idx.msk [tilespmem:v1+s4+$0x0], $0xffff;
	_ =	sdelay $0x4  }
0x3b0: {  	v1 =	vadd.f32 v1, v2;
	_ =	sdelay $0x1  }
0x3b1: {  	v2 =	vmul.f32 $2.000000030e-01, v1;
	_ =	sdelay $0x1  }
0x3b2: {  	v1 =	vmax.f32 v1, v2  }
0x3b3: {  	v1 =	vmul.f32 $1.442695020e+00, v1;
	_ =	sdelay $0x1  }
0x3b4: {  	(erf) = vpow2.f32 v1;
	_ =	sdelay $0x1  }
0x3b5: {  	v1 =	vld [tilespmem:s0+$0xEBB0]  }
0x3b6: {  	v2 =	vld [tilespmem:s0+$0x9D90];
	_ =	sdelay $0x3  }
0x3b7: {  	v1 =	vadd.s32 $0x2800, v1;
	_ =	sdelay $0x1  }
0x3b8: {  	v3 =	vpop (erf)  }
0x3b9: {  	[tilespmem:s0+$0x139C0] =	vst v3  }
0x3ba: {  	v2 =	vld.idx.msk [tilespmem:v2+s4+$0x0], $0xffff  }
0x3bb: {  	v1 =	vld.idx.msk [tilespmem:v1+s4+$0x0], $0xffff;
	_ =	sdelay $0x4  }
0x3bc: {  	v1 =	vadd.f32 v1, v2;
	_ =	sdelay $0x1  }
0x3bd: {  	v2 =	vmul.f32 $2.000000030e-01, v1;
	_ =	sdelay $0x1  }
0x3be: {  	v1 =	vmax.f32 v1, v2  }
0x3bf: {  	v1 =	vmul.f32 $1.442695020e+00, v1;
	_ =	sdelay $0x1  }
0x3c0: {  	(erf) = vpow2.f32 v1;
	_ =	sdelay $0x1  }
0x3c1: {  	v1 =	vld [tilespmem:s0+$0xEBC0]  }
0x3c2: {  	v2 =	vld [tilespmem:s0+$0x9DA0];
	_ =	sdelay $0x3  }
0x3c3: {  	v1 =	vadd.s32 $0x2800, v1;
	_ =	sdelay $0x1  }
0x3c4: {  	v3 =	vpop (erf)  }
0x3c5: {  	[tilespmem:s0+$0x139D0] =	vst v3  }
0x3c6: {  	v2 =	vld.idx.msk [tilespmem:v2+s4+$0x0], $0xffff  }
0x3c7: {  	v1 =	vld.idx.msk [tilespmem:v1+s4+$0x0], $0xffff;
	_ =	sdelay $0x4  }
0x3c8: {  	v1 =	vadd.f32 v1, v2;
	_ =	sdelay $0x1  }
0x3c9: {  	v2 =	vmul.f32 $2.000000030e-01, v1;
	_ =	sdelay $0x1  }
0x3ca: {  	v1 =	vmax.f32 v1, v2  }
0x3cb: {  	v1 =	vmul.f32 $1.442695020e+00, v1;
	_ =	sdelay $0x1  }
0x3cc: {  	(erf) = vpow2.f32 v1;
	_ =	sdelay $0x1  }
0x3cd: {  	v1 =	vld [tilespmem:s0+$0xEBD0]  }
0x3ce: {  	v2 =	vld [tilespmem:s0+$0x9DB0];
	_ =	sdelay $0x3  }
0x3cf: {  	v1 =	vadd.s32 $0x2800, v1;
	_ =	sdelay $0x1  }
0x3d0: {  	v3 =	vpop (erf)  }
0x3d1: {  	[tilespmem:s0+$0x139E0] =	vst v3  }
0x3d2: {  	v2 =	vld.idx.msk [tilespmem:v2+s4+$0x0], $0xffff  }
0x3d3: {  	v1 =	vld.idx.msk [tilespmem:v1+s4+$0x0], $0xffff;
	_ =	sdelay $0x4  }
0x3d4: {  	v1 =	vadd.f32 v1, v2;
	_ =	sdelay $0x1  }
0x3d5: {  	v2 =	vmul.f32 $2.000000030e-01, v1;
	_ =	sdelay $0x1  }
0x3d6: {  	v1 =	vmax.f32 v1, v2  }
0x3d7: {  	v1 =	vmul.f32 $1.442695020e+00, v1;
	_ =	sdelay $0x1  }
0x3d8: {  	(erf) = vpow2.f32 v1;
	_ =	sdelay $0x1  }
0x3d9: {  	v1 =	vld [tilespmem:s0+$0xEBE0]  }
0x3da: {  	v2 =	vld [tilespmem:s0+$0x9DC0];
	_ =	sdelay $0x3  }
0x3db: {  	v1 =	vadd.s32 $0x2800, v1;
	_ =	sdelay $0x1  }
0x3dc: {  	v3 =	vpop (erf)  }
0x3dd: {  	[tilespmem:s0+$0x139F0] =	vst v3  }
0x3de: {  	v2 =	vld.idx.msk [tilespmem:v2+s4+$0x0], $0xffff  }
0x3df: {  	v1 =	vld.idx.msk [tilespmem:v1+s4+$0x0], $0xffff;
	_ =	sdelay $0x4  }
0x3e0: {  	v1 =	vadd.f32 v1, v2;
	_ =	sdelay $0x1  }
0x3e1: {  	v2 =	vmul.f32 $2.000000030e-01, v1;
	_ =	sdelay $0x1  }
0x3e2: {  	v1 =	vmax.f32 v1, v2  }
0x3e3: {  	v1 =	vmul.f32 $1.442695020e+00, v1;
	_ =	sdelay $0x1  }
0x3e4: {  	(erf) = vpow2.f32 v1;
	_ =	sdelay $0x5  }
0x3e5: {  	p0 =	sne.s32 s29, $0x140  }
.Ltmp1:
0x3e6: {  	_ = 	snop;
	(pc) =	sbr.rel @p0 .LBB2_4-.Ltmp1, $4  }
0x3e7: {  	_ = 	snop  }
0x3e8: {  	v1 =	vpop (erf)  }
0x3e9: {  	s29 =	sadd.s32 $0x140, s29;
	s1 =	sadd.s32 $0x9D80, s0;
	s2 =	sadd.s32 $0x139C0, s0;
	[tilespmem:s0+$0x13A00] =	vst v1  }
0x3ea: {  	[spmem:s3] =	stream.indirect.scatter.add.f32 [tilespmem:s2], [sflag:$0x1], $0x1, s1, s18, $0x2000b8;
	[tilespmem:$0x16C60] =	vst v63  }
0x3eb: {  	_ =	strace $0x90000049  }
0x3ec: {  	_ =	strace $0x8000004A  }
0x3ed: {  	_ =	swait.ge [sflag:s17], $0x50  }
0x3ee: {  	s0 =	simm.s32 $0xF9;
	[sflag:s17] =	ssyncset.done $0x0  }
.LBB2_6:
0x3ef: {  	p0 =	sne.s32 s0, $0x1;
	s0 =	sadd.s32 $0xFFFFFFFF, s0;
	[sflag:s17] =	ssyncadd.s32 $0xFFFFFFB0  }
.Ltmp2:
0x3f0: {  	(pc) =	sbr.rel @p0 .LBB2_6-.Ltmp2, $3  }
0x3f1: {  	_ =	sdelay $0x1  }
0x3f2: {  	_ =	swait.ge [sflag:s17], $0x50  }
0x3f3: {  	[sflag:s17] =	ssyncset.done $0x0  }
0x3f4: {  	[sflag:s17] =	ssyncadd.s32 $0xFFFFFFB0  }
0x3f5: {  	[bflag:$0x0] =	sbarrier.arrive $0xFFFF  }
0x3f6: {  	_ =	strace $0x9000004A  }
0x3f7: {  	_ =	strace $0x8000004B  }
0x3f8: {  	[tilespmem:s19], [sflag:$0x2] =	stream.linear.gather [spmem:s3], $0x2800, $0x200038;
	[tilespmem:$0x16C60] =	vst v63  }
0x3f9: {  	_ =	swait.ge [sflag:s16], $0x2800  }
0x3fa: {  	[sflag:s16] =	ssyncset.done $0x0  }
0x3fb: {  	s0 =	simm.s32 $0x13A70;
	[sflag:s16] =	ssyncadd.s32 $0xFFFFD800  }
0x3fc: {  	v1 =	vld [tilespmem:s0+$0xFFFFFFF0];
	_ =	sdelay $0x1  }
0x3fd: {  	v2 =	vld [tilespmem:s0+$0x0];
	_ =	sdelay $0x2  }
0x3fe: {  	v1 =	vadd.f32 $1.000000020e-16, v1;
	_ =	sdelay $0x1  }
0x3ff: {  	s1 =	simm.s32 $0x13A90;
	v2 =	vadd.f32 $1.000000020e-16, v2;
	(erf) = vrcp.f32 v1  }
0x400: {  	v1 =	vld [tilespmem:s1+$0xFFFFFFF0]  }
0x401: {  	(erf) = vrcp.f32 v2;
	v2 =	vld [tilespmem:s1+$0x0];
	_ =	sdelay $0x2  }
0x402: {  	s2 =	simm.s32 $0x13AB0  }
0x403: {  	v3 =	vld [tilespmem:s2+$0xFFFFFFF0];
	v1 =	vadd.f32 $1.000000020e-16, v1  }
0x404: {  	v2 =	vadd.f32 $1.000000020e-16, v2  }
0x405: {  	(erf) = vrcp.f32 v1;
	v1 =	vld [tilespmem:s2+$0x0]  }
0x406: {  	v4 =	vpop (erf);
	(erf) = vrcp.f32 v2;
	_ =	sdelay $0x1  }
0x407: {  	s11 =	simm.s32 $0x4;
	s12 =	simm.s32 $0x13AD0;
	v2 =	vadd.f32 $1.000000020e-16, v3;
	[tilespmem:s0+$0xFFFFFFF0] =	vst v4;
	v3 =	vpop (erf)  }
.LBB2_8:
0x408: {  	s11 =	sadd.s32 $0x2, s11  }
0x409: {  	v4 =	vld [tilespmem:s12+$0xFFFFFFF0];
	v5 =	vadd.f32 $1.000000020e-16, v1;
	[tilespmem:s0+$0x0] =	vst v3;
	s0 =	smov.u32 s1;
	s1 =	smov.u32 s2;
	p0 =	slt.u32 s11, $0x27E  }
.Ltmp3:
0x40a: {  	s2 =	smov.u32 s12;
	v1 =	vld [tilespmem:s12+$0x0];
	(erf) = vrcp.f32 v2;
	(pc) =	sbr.rel @p0 .LBB2_8-.Ltmp3, $3  }
0x40b: {  	(erf) = vrcp.f32 v5;
	_ =	sdelay $0x1  }
0x40c: {  	v3 =	vpop (erf)  }
0x40d: {  	s12 =	sadd.s32 $0x20, s12;
	v2 =	vadd.f32 $1.000000020e-16, v4;
	[tilespmem:s0+$0xFFFFFFF0] =	vst v3;
	v3 =	vpop (erf)  }
0x40e: {  	v1 =	vadd.f32 $1.000000020e-16, v1  }
0x40f: {  	(erf) = vrcp.f32 v2  }
0x410: {  	(erf) = vrcp.f32 v1;
	_ =	sdelay $0x5  }
0x411: {  	[tilespmem:s0+$0x0] =	vst v3;
	v1 =	vpop (erf)  }
0x412: {  	[tilespmem:s1+$0xFFFFFFF0] =	vst v1;
	v1 =	vpop (erf)  }
0x413: {  	[tilespmem:s1+$0x0] =	vst v1;
	v1 =	vpop (erf)  }
0x414: {  	[tilespmem:s2+$0xFFFFFFF0] =	vst v1;
	v1 =	vpop (erf)  }
0x415: {  	[tilespmem:s2+$0x0] =	vst v1  }
0x416: {  	_ =	strace $0x9000004B  }
0x417: {  	s11 =	simm.s32 $0x50A0;
	_ =	strace $0x8000004C  }
0x418: {  	v1 =	vld [tilespmem:s11+$0x50];
	_ =	sdelay $0x4  }
0x419: {  	s0 =	simm.s32 $0xECE0;
	v2 =	vld [tilespmem:s11+$0xFFFFFFB0]  }
0x41a: {  	v4 =	vld [tilespmem:s0+$0x50]  }
0x41b: {  	v5 =	vld [tilespmem:s11+$0xFFFFFF60]  }
0x41c: {  	v1 =	vld.idx.msk [tilespmem:v1+s19+$0x0], $0xffff  }
0x41d: {  	v3 =	vld [tilespmem:s11+$0x0];
	_ =	sdelay $0x2  }
0x41e: {  	v6 =	vld [tilespmem:s0+$0xFFFFFFB0]  }
0x41f: {  	v7 =	vld [tilespmem:s0+$0xFFFFFF60];
	v1 =	vmul.f32 v1, v4  }
0x420: {  	v2 =	vld.idx.msk [tilespmem:v2+s19+$0x0], $0xffff  }
0x421: {  	v5 =	vld.idx.msk [tilespmem:v5+s19+$0x0], $0xffff;
	[tilespmem:s0+$0x50] =	vst v1  }
0x422: {  	v1 =	vld [tilespmem:s11+$0x60]  }
0x423: {  	v3 =	vld.idx.msk [tilespmem:v3+s19+$0x0], $0xffff  }
0x424: {  	v4 =	vld [tilespmem:s0+$0x0]  }
0x425: {  	v2 =	vmul.f32 v2, v6  }
0x426: {  	v8 =	vld [tilespmem:s0+$0xFFFFFFC0];
	v5 =	vmul.f32 v5, v7  }
0x427: {  	v9 =	vld [tilespmem:s0+$0x10];
	[tilespmem:s0+$0xFFFFFFB0] =	vst v2  }
0x428: {  	[tilespmem:s0+$0xFFFFFF60] =	vst v5;
	v5 =	vld [tilespmem:s0+$0x60]  }
0x429: {  	v2 =	vld [tilespmem:s11+$0xFFFFFFC0];
	v3 =	vmul.f32 v3, v4  }
0x42a: {  	v1 =	vld.idx.msk [tilespmem:v1+s19+$0x0], $0xffff  }
0x42b: {  	v7 =	vld [tilespmem:s11+$0xFFFFFF70];
	[tilespmem:s0+$0x0] =	vst v3  }
0x42c: {  	v3 =	vld [tilespmem:s11+$0x10]  }
0x42d: {  	v10 =	vld [tilespmem:s0+$0xFFFFFFD0]  }
0x42e: {  	v11 =	vld [tilespmem:s0+$0xFFFFFF90]  }
0x42f: {  	v12 =	vld [tilespmem:s0+$0xFFFFFFA0];
	v1 =	vmul.f32 v1, v5  }
0x430: {  	v4 =	vld [tilespmem:s0+$0xFFFFFF70]  }
0x431: {  	v2 =	vld.idx.msk [tilespmem:v2+s19+$0x0], $0xffff;
	[tilespmem:s0+$0x60] =	vst v1  }
0x432: {  	v1 =	vld [tilespmem:s11+$0x70]  }
0x433: {  	v7 =	vld.idx.msk [tilespmem:v7+s19+$0x0], $0xffff  }
0x434: {  	v3 =	vld.idx.msk [tilespmem:v3+s19+$0x0], $0xffff  }
0x435: {  	s2 =	simm.s32 $0x51E0;
	v14 =	vld [tilespmem:s0+$0xFFFFFFF0]  }
0x436: {  	s1 =	simm.s32 $0xEE20;
	v13 =	vld [tilespmem:s2+$0xFFFFFFB0];
	v2 =	vmul.f32 v2, v8  }
0x437: {  	v16 =	vld [tilespmem:s1+$0xFFFFFFB0]  }
0x438: {  	v4 =	vmul.f32 v7, v4;
	v7 =	vld [tilespmem:s0+$0x70];
	[tilespmem:s0+$0xFFFFFFC0] =	vst v2  }
0x439: {  	v2 =	vld [tilespmem:s11+$0xFFFFFFD0];
	v3 =	vmul.f32 v3, v9  }
0x43a: {  	v1 =	vld.idx.msk [tilespmem:v1+s19+$0x0], $0xffff  }
0x43b: {  	v17 =	vld [tilespmem:s1+$0x0];
	[tilespmem:s0+$0x10] =	vst v3  }
0x43c: {  	v3 =	vld [tilespmem:s11+$0x20]  }
0x43d: {  	v18 =	vld [tilespmem:s0+$0x90]  }
0x43e: {  	v59 =	vld [tilespmem:s1+$0xFFFFFFC0];
	[tilespmem:s0+$0xFFFFFF70] =	vst v4  }
0x43f: {  	v4 =	vld [tilespmem:s11+$0xFFFFFF80];
	v1 =	vmul.f32 v1, v7  }
0x440: {  	v20 =	vld [tilespmem:s1+$0x10]  }
0x441: {  	v2 =	vld.idx.msk [tilespmem:v2+s19+$0x0], $0xffff;
	[tilespmem:s0+$0x70] =	vst v1  }
0x442: {  	v7 =	vld [tilespmem:s11+$0x80]  }
0x443: {  	v5 =	vld [tilespmem:s0+$0x20]  }
0x444: {  	v3 =	vld.idx.msk [tilespmem:v3+s19+$0x0], $0xffff  }
0x445: {  	v21 =	vld [tilespmem:s1+$0xFFFFFFD0]  }
0x446: {  	v6 =	vld [tilespmem:s0+$0xFFFFFF80]  }
0x447: {  	v1 =	vmul.f32 v2, v10;
	v2 =	vld.idx.msk [tilespmem:v4+s19+$0x0], $0xffff  }
0x448: {  	v10 =	vld [tilespmem:s0+$0x80]  }
0x449: {  	v3 =	vmul.f32 v3, v5;
	v5 =	vld [tilespmem:s2+$0x50]  }
0x44a: {  	v7 =	vld.idx.msk [tilespmem:v7+s19+$0x0], $0xffff  }
0x44b: {  	v23 =	vld [tilespmem:s1+$0x20]  }
0x44c: {  	v13 =	vld.idx.msk [tilespmem:v13+s19+$0x0], $0xffff;
	v2 =	vmul.f32 v2, v6  }
0x44d: {  	v8 =	vld [tilespmem:s0+$0xFFFFFFE0]  }
0x44e: {  	[tilespmem:s0+$0xFFFFFF80] =	vst v2;
	v2 =	vld [tilespmem:s2+$0x0]  }
0x44f: {  	v9 =	vld [tilespmem:s0+$0x30];
	v7 =	vmul.f32 v7, v10  }
0x450: {  	v6 =	vld [tilespmem:s2+$0xFFFFFF60]  }
0x451: {  	v5 =	vld.idx.msk [tilespmem:v5+s19+$0x0], $0xffff;
	[tilespmem:s0+$0x80] =	vst v7  }
0x452: {  	v7 =	vld [tilespmem:s11+$0x90]  }
0x453: {  	v10 =	vld [tilespmem:s1+$0x50]  }
0x454: {  	[tilespmem:s0+$0xFFFFFFD0] =	vst v1;
	v1 =	vld [tilespmem:s0+$0x40]  }
0x455: {  	v4 =	vld [tilespmem:s11+$0xFFFFFFE0]  }
0x456: {  	[tilespmem:s0+$0x20] =	vst v3;
	v2 =	vld.idx.msk [tilespmem:v2+s19+$0x0], $0xffff  }
0x457: {  	v3 =	vld [tilespmem:s11+$0x30]  }
0x458: {  	v6 =	vld.idx.msk [tilespmem:v6+s19+$0x0], $0xffff;
	v5 =	vmul.f32 v5, v10  }
0x459: {  	v10 =	vld [tilespmem:s1+$0xFFFFFF60]  }
0x45a: {  	[tilespmem:s1+$0x50] =	vst v5;
	v19 =	vld.idx.msk [tilespmem:v7+s19+$0x0], $0xffff  }
0x45b: {  	v2 =	vmul.f32 v2, v17;
	v7 =	vld [tilespmem:s2+$0x60]  }
0x45c: {  	v15 =	vld [tilespmem:s11+$0xFFFFFF90];
	v5 =	vmul.f32 v13, v16  }
0x45d: {  	v4 =	vld.idx.msk [tilespmem:v4+s19+$0x0], $0xffff;
	[tilespmem:s1+$0x0] =	vst v2  }
0x45e: {  	[tilespmem:s1+$0xFFFFFFB0] =	vst v5;
	v2 =	vld [tilespmem:s2+$0x10]  }
0x45f: {  	v60 =	vld [tilespmem:s2+$0xFFFFFFC0];
	v6 =	vmul.f32 v6, v10  }
0x460: {  	v3 =	vld.idx.msk [tilespmem:v3+s19+$0x0], $0xffff  }
0x461: {  	[tilespmem:s1+$0xFFFFFF60] =	vst v6;
	v6 =	vld [tilespmem:s1+$0x60]  }
0x462: {  	v10 =	vld [tilespmem:s2+$0xFFFFFF70]  }
0x463: {  	v7 =	vld.idx.msk [tilespmem:v7+s19+$0x0], $0xffff  }
0x464: {  	v15 =	vld.idx.msk [tilespmem:v15+s19+$0x0], $0xffff  }
0x465: {  	v3 =	vmul.f32 v3, v9;
	v13 =	vld [tilespmem:s1+$0xFFFFFF70]  }
0x466: {  	v22 =	vld.idx.msk [tilespmem:v2+s19+$0x0], $0xffff  }
0x467: {  	[tilespmem:s0+$0x30] =	vst v3;
	v17 =	vld.idx.msk [tilespmem:v60+s19+$0x0], $0xffff  }
0x468: {  	v62 =	vld [tilespmem:s11+$0x40];
	v6 =	vmul.f32 v7, v6  }
0x469: {  	v4 =	vmul.f32 v4, v8;
	v5 =	vld [tilespmem:s1+$0xFFFFFF80]  }
0x46a: {  	v8 =	vmul.f32 v15, v11;
	v10 =	vld.idx.msk [tilespmem:v10+s19+$0x0], $0xffff;
	[tilespmem:s1+$0x60] =	vst v6  }
0x46b: {  	[tilespmem:s0+$0xFFFFFFE0] =	vst v4;
	v61 =	vmul.f32 v22, v20;
	v24 =	vld [tilespmem:s2+$0x70]  }
0x46c: {  	[tilespmem:s0+$0xFFFFFF90] =	vst v8;
	v8 =	vld [tilespmem:s11+$0xFFFFFFF0];
	v7 =	vmul.f32 v17, v59  }
0x46d: {  	v2 =	vld [tilespmem:s1+$0xFFFFFF90];
	[tilespmem:s1+$0x10] =	vst v61  }
0x46e: {  	v4 =	vld [tilespmem:s2+$0x20];
	[tilespmem:s1+$0xFFFFFFC0] =	vst v7  }
0x46f: {  	v10 =	vmul.f32 v10, v13;
	v11 =	vld [tilespmem:s2+$0xFFFFFFD0]  }
0x470: {  	v13 =	vld [tilespmem:s11+$0xFFFFFFA0]  }
0x471: {  	[tilespmem:s1+$0xFFFFFF70] =	vst v10;
	v10 =	vld [tilespmem:s1+$0x70]  }
0x472: {  	v15 =	vld [tilespmem:s2+$0xFFFFFF80]  }
0x473: {  	v9 =	vld.idx.msk [tilespmem:v24+s19+$0x0], $0xffff  }
0x474: {  	v6 =	vld [tilespmem:s1+$0xFFFFFFE0]  }
0x475: {  	v7 =	vld [tilespmem:s1+$0x30]  }
0x476: {  	v4 =	vld.idx.msk [tilespmem:v4+s19+$0x0], $0xffff  }
0x477: {  	v11 =	vld.idx.msk [tilespmem:v11+s19+$0x0], $0xffff  }
0x478: {  	v63 =	vld.idx.msk [tilespmem:v13+s19+$0x0], $0xffff;
	v3 =	vmul.f32 v9, v10  }
0x479: {  	v9 =	vld.idx.msk [tilespmem:v8+s19+$0x0], $0xffff  }
0x47a: {  	v13 =	vld.idx.msk [tilespmem:v15+s19+$0x0], $0xffff;
	[tilespmem:s1+$0x70] =	vst v3  }
0x47b: {  	v18 =	vmul.f32 v19, v18;
	v10 =	vld [tilespmem:s2+$0x80]  }
0x47c: {  	v15 =	vmul.f32 v4, v23;
	v4 =	vld [tilespmem:s1+$0xFFFFFFF0];
	v11 =	vmul.f32 v11, v21  }
0x47d: {  	[tilespmem:s0+$0x90] =	vst v18;
	v8 =	vld.idx.msk [tilespmem:v62+s19+$0x0], $0xffff  }
0x47e: {  	v3 =	vld [tilespmem:s1+$0xFFFFFFA0];
	[tilespmem:s1+$0xFFFFFFD0] =	vst v11;
	v9 =	vmul.f32 v9, v14  }
0x47f: {  	[tilespmem:s1+$0x20] =	vst v15;
	v11 =	vld [tilespmem:s2+$0xFFFFFFE0];
	v14 =	vmul.f32 v63, v12  }
0x480: {  	v12 =	vld [tilespmem:s2+$0x30];
	[tilespmem:s0+$0xFFFFFFF0] =	vst v9  }
0x481: {  	s12 =	simm.s32 $0x5320;
	s11 =	simm.s32 $0x4;
	v9 =	vld [tilespmem:s1+$0x40];
	[tilespmem:s0+$0xFFFFFFA0] =	vst v14  }
.LBB2_10:
0x482: {  	v14 =	vld [tilespmem:s12+$0x50];
	v5 =	vmul.f32 v13, v5  }
0x483: {  	v15 =	vmul.f32 v8, v1;
	v10 =	vld.idx.msk [tilespmem:v10+s19+$0x0], $0xffff  }
0x484: {  	s11 =	sadd.s32 $0x4, s11;
	[tilespmem:s1+$0xFFFFFF80] =	vst v5;
	v5 =	vld [tilespmem:s1+$0x80]  }
0x485: {  	p0 =	slt.u32 s11, $0xF4;
	v8 =	vld [tilespmem:s12+$0xFFFFFF60];
	[tilespmem:s0+$0x40] =	vst v15;
	s0 =	smov.u32 s1  }
0x486: {  	v13 =	vld [tilespmem:s12+$0xFFFFFFB0];
	v1 =	vmov v9  }
0x487: {  	v9 =	vld [tilespmem:s12+$0x0]  }
0x488: {  	v15 =	vld [tilespmem:s2+$0xFFFFFF90]  }
0x489: {  	v11 =	vld.idx.msk [tilespmem:v11+s19+$0x0], $0xffff;
	v5 =	vmul.f32 v10, v5  }
0x48a: {  	v10 =	vld.idx.msk [tilespmem:v12+s19+$0x0], $0xffff  }
0x48b: {  	v12 =	vld.idx.msk [tilespmem:v14+s19+$0x0], $0xffff;
	[tilespmem:s1+$0x80] =	vst v5  }
0x48c: {  	s1 =	sadd.s32 $0x140, s1;
	v5 =	vld [tilespmem:s2+$0x90]  }
0x48d: {  	v14 =	vld [tilespmem:s1+$0x50]  }
0x48e: {  	v8 =	vld.idx.msk [tilespmem:v8+s19+$0x0], $0xffff  }
0x48f: {  	v6 =	vmul.f32 v11, v6;
	v13 =	vld.idx.msk [tilespmem:v13+s19+$0x0], $0xffff  }
0x490: {  	v7 =	vmul.f32 v10, v7;
	v9 =	vld.idx.msk [tilespmem:v9+s19+$0x0], $0xffff  }
0x491: {  	v10 =	vld [tilespmem:s1+$0xFFFFFFB0];
	[tilespmem:s0+$0xFFFFFFE0] =	vst v6  }
0x492: {  	v6 =	vld [tilespmem:s1+$0x0];
	v11 =	vmul.f32 v12, v14;
	[tilespmem:s0+$0x30] =	vst v7  }
0x493: {  	v7 =	vld [tilespmem:s0+$0x90]  }
0x494: {  	[tilespmem:s1+$0x50] =	vst v11;
	v5 =	vld.idx.msk [tilespmem:v5+s19+$0x0], $0xffff  }
0x495: {  	v11 =	vld [tilespmem:s12+$0x60]  }
0x496: {  	v12 =	vld [tilespmem:s1+$0xFFFFFF60];
	v10 =	vmul.f32 v13, v10  }
0x497: {  	v13 =	vld [tilespmem:s1+$0xFFFFFF70];
	v6 =	vmul.f32 v9, v6  }
0x498: {  	[tilespmem:s1+$0xFFFFFFB0] =	vst v10;
	v9 =	vld [tilespmem:s1+$0xFFFFFFC0]  }
0x499: {  	v10 =	vld [tilespmem:s12+$0xFFFFFFC0];
	[tilespmem:s1+$0x0] =	vst v6  }
0x49a: {  	v7 =	vmul.f32 v5, v7;
	v6 =	vld [tilespmem:s12+$0x10]  }
0x49b: {  	v8 =	vmul.f32 v8, v12;
	v12 =	vld [tilespmem:s1+$0x10]  }
0x49c: {  	v5 =	vld [tilespmem:s1+$0xFFFFFF80];
	[tilespmem:s0+$0x90] =	vst v7  }
0x49d: {  	[tilespmem:s1+$0xFFFFFF60] =	vst v8;
	v7 =	vld.idx.msk [tilespmem:v11+s19+$0x0], $0xffff  }
0x49e: {  	v8 =	vld [tilespmem:s1+$0x60]  }
0x49f: {  	v11 =	vld [tilespmem:s12+$0xFFFFFF70]  }
0x4a0: {  	v14 =	vld [tilespmem:s1+$0xFFFFFFD0]  }
0x4a1: {  	v10 =	vld.idx.msk [tilespmem:v10+s19+$0x0], $0xffff  }
0x4a2: {  	v16 =	vld.idx.msk [tilespmem:v6+s19+$0x0], $0xffff  }
0x4a3: {  	v17 =	vld [tilespmem:s1+$0x20];
	v6 =	vmul.f32 v7, v8  }
0x4a4: {  	v8 =	vld.idx.msk [tilespmem:v15+s19+$0x0], $0xffff  }
0x4a5: {  	v15 =	vld [tilespmem:s1+$0xFFFFFF90];
	[tilespmem:s1+$0x60] =	vst v6  }
0x4a6: {  	v18 =	vld [tilespmem:s12+$0x70]  }
0x4a7: {  	v7 =	vmul.f32 v10, v9;
	v11 =	vld.idx.msk [tilespmem:v11+s19+$0x0], $0xffff  }
0x4a8: {  	v9 =	vmul.f32 v16, v12;
	v6 =	vld [tilespmem:s1+$0xFFFFFFE0]  }
0x4a9: {  	[tilespmem:s1+$0xFFFFFFC0] =	vst v7;
	v7 =	vld [tilespmem:s1+$0x30]  }
0x4aa: {  	v8 =	vmul.f32 v8, v2;
	v10 =	vld [tilespmem:s12+$0xFFFFFFD0];
	[tilespmem:s1+$0x10] =	vst v9;
	v2 =	vmov v15  }
0x4ab: {  	v9 =	vld [tilespmem:s12+$0x20]  }
0x4ac: {  	[tilespmem:s0+$0xFFFFFF90] =	vst v8;
	v8 =	vld [tilespmem:s2+$0xFFFFFFF0]  }
0x4ad: {  	v11 =	vmul.f32 v11, v13;
	v12 =	vld [tilespmem:s2+$0xFFFFFFA0]  }
0x4ae: {  	v13 =	vld.idx.msk [tilespmem:v18+s19+$0x0], $0xffff  }
0x4af: {  	[tilespmem:s1+$0xFFFFFF70] =	vst v11;
	v11 =	vld [tilespmem:s1+$0x70]  }
0x4b0: {  	v15 =	vld [tilespmem:s12+$0xFFFFFF80]  }
0x4b1: {  	v16 =	vld [tilespmem:s2+$0x40];
	s2 =	smov.u32 s12  }
0x4b2: {  	v18 =	vld.idx.msk [tilespmem:v10+s19+$0x0], $0xffff  }
0x4b3: {  	v9 =	vld.idx.msk [tilespmem:v9+s19+$0x0], $0xffff  }
0x4b4: {  	v10 =	vmul.f32 v13, v11;
	v11 =	vld.idx.msk [tilespmem:v8+s19+$0x0], $0xffff  }
0x4b5: {  	v12 =	vld.idx.msk [tilespmem:v12+s19+$0x0], $0xffff  }
0x4b6: {  	v19 =	vld [tilespmem:s1+$0xFFFFFFA0];
	[tilespmem:s1+$0x70] =	vst v10  }
0x4b7: {  	v10 =	vld [tilespmem:s12+$0x80]  }
0x4b8: {  	v14 =	vmul.f32 v18, v14;
	v13 =	vld.idx.msk [tilespmem:v15+s19+$0x0], $0xffff  }
.Ltmp4:
0x4b9: {  	v9 =	vmul.f32 v9, v17;
	v8 =	vld.idx.msk [tilespmem:v16+s19+$0x0], $0xffff;
	(pc) =	sbr.rel @p0 .LBB2_10-.Ltmp4, $4  }
0x4ba: {  	[tilespmem:s1+$0xFFFFFFD0] =	vst v14;
	v14 =	vmul.f32 v11, v4;
	v4 =	vld [tilespmem:s1+$0xFFFFFFF0]  }
0x4bb: {  	v15 =	vmul.f32 v12, v3;
	v11 =	vld [tilespmem:s12+$0xFFFFFFE0];
	[tilespmem:s1+$0x20] =	vst v9;
	v3 =	vmov v19  }
0x4bc: {  	v12 =	vld [tilespmem:s12+$0x30];
	[tilespmem:s0+$0xFFFFFFF0] =	vst v14  }
0x4bd: {  	s12 =	sadd.s32 $0x140, s12;
	v9 =	vld [tilespmem:s1+$0x40];
	[tilespmem:s0+$0xFFFFFFA0] =	vst v15  }
0x4be: {  	v5 =	vmul.f32 v13, v5;
	_ =	sdelay $0x1  }
0x4bf: {  	[tilespmem:s1+$0xFFFFFF80] =	vst v5  }
0x4c0: {  	v5 =	vld [tilespmem:s2+$0xFFFFFF90];
	_ =	sdelay $0x4  }
0x4c1: {  	v10 =	vld.idx.msk [tilespmem:v10+s19+$0x0], $0xffff  }
0x4c2: {  	v60 =	vld [tilespmem:s1+$0x80]  }
0x4c3: {  	v11 =	vld.idx.msk [tilespmem:v11+s19+$0x0], $0xffff  }
0x4c4: {  	v5 =	vld.idx.msk [tilespmem:v5+s19+$0x0], $0xffff  }
0x4c5: {  	v12 =	vld.idx.msk [tilespmem:v12+s19+$0x0], $0xffff;
	_ =	sdelay $0x1  }
0x4c6: {  	v10 =	vmul.f32 v10, v60  }
0x4c7: {  	v6 =	vmul.f32 v11, v6  }
0x4c8: {  	[tilespmem:s1+$0x80] =	vst v10;
	v2 =	vmul.f32 v5, v2  }
0x4c9: {  	v61 =	vld [tilespmem:s2+$0x90];
	v7 =	vmul.f32 v12, v7;
	[tilespmem:s1+$0xFFFFFFE0] =	vst v6  }
0x4ca: {  	[tilespmem:s1+$0xFFFFFF90] =	vst v2;
	v2 =	vld [tilespmem:s2+$0xFFFFFFF0]  }
0x4cb: {  	[tilespmem:s1+$0x30] =	vst v7;
	v62 =	vld [tilespmem:s2+$0xFFFFFFA0]  }
0x4cc: {  	v7 =	vld [tilespmem:s2+$0x40];
	_ =	sdelay $0x3  }
0x4cd: {  	v63 =	vld [tilespmem:s1+$0x90]  }
0x4ce: {  	v5 =	vld.idx.msk [tilespmem:v61+s19+$0x0], $0xffff  }
0x4cf: {  	v2 =	vld.idx.msk [tilespmem:v2+s19+$0x0], $0xffff  }
0x4d0: {  	v6 =	vld.idx.msk [tilespmem:v62+s19+$0x0], $0xffff  }
0x4d1: {  	v7 =	vld.idx.msk [tilespmem:v7+s19+$0x0], $0xffff  }
0x4d2: {  	v1 =	vmul.f32 v8, v1  }
0x4d3: {  	v5 =	vmul.f32 v5, v63  }
0x4d4: {  	[tilespmem:s0+$0x40] =	vst v1;
	v1 =	vmul.f32 v2, v4  }
0x4d5: {  	[tilespmem:s1+$0x90] =	vst v5;
	v2 =	vmul.f32 v6, v3  }
0x4d6: {  	[tilespmem:s1+$0xFFFFFFF0] =	vst v1;
	v1 =	vmul.f32 v7, v9  }
0x4d7: {  	[tilespmem:s1+$0xFFFFFFA0] =	vst v2  }
0x4d8: {  	s0 =	simm.s32 $0x0;
	[tilespmem:s1+$0x40] =	vst v1  }
.LBB2_12:
0x4d9: {  	s1 =	sshra.s32 s0, $0x2  }
0x4da: {  	v1 =	vld [tilespmem:s1+$0x9D80];
	_ =	sdelay $0x5  }
0x4db: {  	v2 =	vld [tilespmem:s1+$0x139C0]  }
0x4dc: {  	v3 =	vld [tilespmem:s1+$0x9D90]  }
0x4dd: {  	v1 =	vld.idx.msk [tilespmem:v1+s19+$0x0], $0xffff;
	_ =	sdelay $0x4  }
0x4de: {  	v1 =	vmul.f32 v1, v2;
	_ =	sdelay $0x1  }
0x4df: {  	[tilespmem:s1+$0x139C0] =	vst v1;
	v1 =	vld [tilespmem:s1+$0x139D0]  }
0x4e0: {  	v2 =	vld.idx.msk [tilespmem:v3+s19+$0x0], $0xffff  }
0x4e1: {  	v3 =	vld [tilespmem:s1+$0x9DA0];
	_ =	sdelay $0x4  }
0x4e2: {  	v1 =	vmul.f32 v2, v1;
	_ =	sdelay $0x1  }
0x4e3: {  	[tilespmem:s1+$0x139D0] =	vst v1;
	v1 =	vld [tilespmem:s1+$0x139E0]  }
0x4e4: {  	v2 =	vld.idx.msk [tilespmem:v3+s19+$0x0], $0xffff  }
0x4e5: {  	v3 =	vld [tilespmem:s1+$0x9DB0];
	_ =	sdelay $0x4  }
0x4e6: {  	v1 =	vmul.f32 v2, v1;
	_ =	sdelay $0x1  }
0x4e7: {  	[tilespmem:s1+$0x139E0] =	vst v1;
	v1 =	vld [tilespmem:s1+$0x139F0]  }
0x4e8: {  	v2 =	vld.idx.msk [tilespmem:v3+s19+$0x0], $0xffff  }
0x4e9: {  	v3 =	vld [tilespmem:s1+$0x9DC0];
	_ =	sdelay $0x4  }
0x4ea: {  	v1 =	vmul.f32 v2, v1;
	_ =	sdelay $0x1  }
0x4eb: {  	[tilespmem:s1+$0x139F0] =	vst v1;
	v1 =	vld [tilespmem:s1+$0x13A00]  }
0x4ec: {  	v2 =	vld.idx.msk [tilespmem:v3+s19+$0x0], $0xffff;
	_ =	sdelay $0x1  }
0x4ed: {  	p0 =	sne.s32 s0, $0x140  }
.Ltmp5:
0x4ee: {  	_ = 	snop;
	(pc) =	sbr.rel @p0 .LBB2_12-.Ltmp5, $3  }
0x4ef: {  	_ = 	snop  }
0x4f0: {  	v1 =	vmul.f32 v2, v1;
	_ =	sdelay $0x1  }
0x4f1: {  	s0 =	sadd.s32 $0x140, s0;
	[tilespmem:s1+$0x13A00] =	vst v1  }
0x4f2: {  	s0 =	simm.s32 $0xEC40;
	s21 =	sadd.s32 $0x1, s21  }
0x4f3: {  	[hbm4b:s9+s4] =	stream.linear.scatter [tilespmem:s0], [sflag:$0x2], $0x4E20, $0x200038;
	[tilespmem:$0x16C60] =	vst v63  }
0x4f4: {  	p0 =	sne.s32 s21, s10  }
.Ltmp6:
0x4f5: {  	_ = 	snop;
	(pc) =	sbr.rel @p0 .LBB2_1-.Ltmp6, $4  }
0x4f6: {  	_ =	swait.ge [sflag:s16], $0x4E20  }
0x4f7: {  	[sflag:s16] =	ssyncset.done $0x0  }
0x4f8: {  	[sflag:s16] =	ssyncadd.s32 $0xFFFFB1E0  }
0x4f9: {  	_ =	strace $0x9000004C  }
0x4fa: {  	_ =	sfence.sel $0x180000  }
0x4fb: {  	[bflag:$0x0] =	sbarrier.arrive $0xFFFF  }
0x4fc: {  	_ =	strace $0x90000047  }
0x4fd: {  	s0 =	stileid.u32;
	[bflag:$0x2] =	sbarrier.arrive $0xFFFF  }
0x4fe: {  	p0 =	sne.s32 s0, $0x0;
	s0 =	rddreg [dreg:$0x4]  }
0x4ff: {  	s0 =	sadd.s32 @!p0 $0x100000, s0  }
0x500: {  	[sflag:s0] =	ssyncadd.tile.s32 @!p0 $0x1;
	_ =	shalt  }
.Lfunc_end2:
_tile_overlayer_lowered:
.L_overlay_start_2:
0x501: {  	(tag) =	ssettag $0x2  }
0x502: {  	s0 =	rddreg [dreg:$0x0];
	s2 =	stileid.u32  }
0x503: {  	s1 =	rddreg [dreg:$0x1];
	p0 =	sne.s32 s2, $0x0  }
0x504: {  	s3 =	rddreg [dreg:$0x2];
	[bflag:$0x3] =	sbarrier.arrive $0xFFFF;
	s2 =	simm.s32 @!p0 $0x1C02  }
0x505: {  	[timem:s3], [sflag:s2] =	dma.local @!p0 [hbm:s0], s1  }
0x506: {  	s0 =	simm.s32 @!p0 $0x2  }
0x507: {  	_ =	swait.ge @!p0 [sflag:s0], s1  }
0x508: {  	s1 =	ssub.s32 @!p0 $0x0, s1;
	[sflag:s0] =	ssyncset.done @!p0 $0x0  }
0x509: {  	[sflag:s0] =	ssyncadd.s32 @!p0 s1  }
0x50a: {  	[bflag:$0x3] =	sbarrier.arrive $0xFFFF  }
0x50b: {  	_ =	shalt  }

</sc_bundles>
